<compile_context>
chip_gen: v7x
topology: tpu7x:2x2x1
jax: 0.10.2.dev20260603
libtpu: 0.0.44.dev20260713+nightly
codegen_flags: <defaults>
</compile_context>

<pallas_src>
import functools

import jax
import jax.numpy as jnp
from jax import lax
from jax.experimental import pallas as pl
from jax.experimental.pallas import tpu as pltpu
from jax.experimental.pallas import tpu_sc as plsc

_N = 1024
_D = 128
_K = 8

_BR_EMBED = 256
_BR_KNN = 512

_NC = 2
_NS = 16
_NW = _NC * _NS
_CHUNK = (_N * _K) // _NW


def _rowsum(a):
    acc = a[:, 0:128]
    for c in range(1, 8):
        acc = acc + a[:, 128 * c:128 * (c + 1)]
    part = acc[:, 0:8]
    for v in range(1, 16):
        part = part + acc[:, 8 * v:8 * (v + 1)]
    q = part[:, 0:4] + part[:, 4:8]
    q = q[:, 0:2] + q[:, 2:4]
    return q[:, 0:1] + q[:, 1:2]


def _embed_body(a_ref, x_ref, w_ref, out_ref):
    a = a_ref[...]
    r = pl.reciprocal(_rowsum(a) + 1e-6, approx=False)
    t1 = jnp.dot(a * r, x_ref[...], preferred_element_type=jnp.float32)
    out_ref[...] = jnp.dot(t1, w_ref[...], preferred_element_type=jnp.float32)


def _embed(A, x, W):
    return pl.pallas_call(
        _embed_body,
        grid=(_N // _BR_EMBED,),
        in_specs=[
            pl.BlockSpec((_BR_EMBED, _N), lambda i: (i, 0)),
            pl.BlockSpec((_N, _D), lambda i: (0, 0)),
            pl.BlockSpec((_D, _D), lambda i: (0, 0)),
        ],
        out_specs=pl.BlockSpec((_BR_EMBED, _D), lambda i: (i, 0)),
        out_shape=jax.ShapeDtypeStruct((_N, _D), jnp.float32),
    )(A, x, W)


def _knn_body(t_ref, xeb_ref, xe_ref, lq_ref, idx_ref):
    j = pl.program_id(0)
    xeb = xeb_ref[...]
    xe = xe_ref[...]
    t = t_ref[0, 0]
    dots = lax.dot_general(
        xe, xeb, (((1,), (1,)), ((), ())), preferred_element_type=jnp.float32,
        precision=lax.Precision.HIGHEST)
    n2f = jnp.sum(xe * xe, axis=1, keepdims=True)
    ones = jnp.ones((1, _D), jnp.float32)
    n2b = lax.dot_general(
        ones, xeb * xeb, (((1,), (1,)), ((), ())),
        preferred_element_type=jnp.float32,
        precision=lax.Precision.HIGHEST)
    md = n2f + n2b - 2.0 * dots
    rows = lax.broadcasted_iota(jnp.int32, (_N, _BR_KNN), 0)
    cols = lax.broadcasted_iota(jnp.int32, (_N, _BR_KNN), 1) + j * _BR_KNN
    scaled = md * t
    lq_ref[...] = jnp.where(rows == cols, 0.0, scaled)

    big = jnp.float32(jnp.inf)
    bigi = jnp.int32(2**30)
    work = jnp.where(rows == cols, big, scaled)
    mins = [cols[0:1, :]]
    for _ in range(_K - 1):
        mv = jnp.min(work, axis=0, keepdims=True)
        cand = jnp.where(work == mv, rows, bigi)
        am = jnp.min(cand, axis=0, keepdims=True)
        mins.append(am)
        work = jnp.where(rows == am, big, work)
    idx_ref[...] = jnp.concatenate(mins, axis=0)


def _knn(t2d, xe):
    return pl.pallas_call(
        _knn_body,
        grid=(_N // _BR_KNN,),
        in_specs=[
            pl.BlockSpec((1, 1), lambda j: (0, 0)),
            pl.BlockSpec((_BR_KNN, _D), lambda j: (j, 0)),
            pl.BlockSpec((_N, _D), lambda j: (0, 0)),
        ],
        out_specs=[
            pl.BlockSpec((_N, _BR_KNN), lambda j: (0, j)),
            pl.BlockSpec((_K, _BR_KNN), lambda j: (0, j)),
        ],
        out_shape=[
            jax.ShapeDtypeStruct((_N, _N), jnp.float32),
            jax.ShapeDtypeStruct((_K, _N), jnp.int32),
        ],
    )(t2d, xe, xe)


def _sc_gather_body(lq_hbm, idx_hbm, lp_out, edge_out,
                    rv, ga, gb, dup, vv, ev, sem):
    wid = lax.axis_index("s") * _NC + lax.axis_index("c")
    base = wid * _CHUNK
    pltpu.sync_copy(idx_hbm.at[pl.ds(base, _CHUNK)], rv)
    lane = lax.iota(jnp.int32, 16)
    for i in range(_NS):
        u = lane + (i * 16)
        r = rv[pl.ds(i * 16, 16)]
        g = r * _N + jnp.right_shift(u + base, 3)
        if i < 8:
            ga[pl.ds(i * 16, 16)] = g
        else:
            gb[pl.ds((i - 8) * 16, 16)] = g
    for j in range(2 * _NS):
        dup[pl.ds(j * 16, 16)] = base + 8 * j + jnp.right_shift(lane, 1)
    copies = [
        pltpu.async_copy(lq_hbm.at[ga], vv.at[pl.ds(0, 128)], sem),
        pltpu.async_copy(lq_hbm.at[gb], vv.at[pl.ds(128, 128)], sem),
    ]
    for h in range(4):
        copies.append(
            pltpu.async_copy(idx_hbm.at[dup.at[pl.ds(h * 128, 128)]],
                             ev.at[pl.ds(h * 128, 128)], sem))
    for c in copies:
        c.wait()
    even = (lane & 1) == 0
    for i in range(_NS):
        vv[pl.ds(i * 16, 16)] = -vv[pl.ds(i * 16, 16)]
    for j in range(2 * _NS):
        m = dup[pl.ds(j * 16, 16)]
        ev[pl.ds(j * 16, 16)] = jnp.where(
            even, ev[pl.ds(j * 16, 16)], jnp.right_shift(m, 3))
    pltpu.sync_copy(vv, lp_out.at[pl.ds(base, _CHUNK)])
    pltpu.sync_copy(ev, edge_out.at[pl.ds(base * 2, _CHUNK * 2)])


@functools.cache
def _sc_gather():
    return pl.kernel(
        _sc_gather_body,
        mesh=plsc.VectorSubcoreMesh(core_axis_name="c", subcore_axis_name="s"),
        out_type=[
            jax.ShapeDtypeStruct((_N * _K,), jnp.float32),
            jax.ShapeDtypeStruct((_N * _K * 2,), jnp.int32),
        ],
        scratch_types=[
            pltpu.VMEM((_CHUNK,), jnp.int32),
            pltpu.VMEM((128,), jnp.int32),
            pltpu.VMEM((128,), jnp.int32),
            pltpu.VMEM((_CHUNK * 2,), jnp.int32),
            pltpu.VMEM((_CHUNK,), jnp.float32),
            pltpu.VMEM((_CHUNK * 2,), jnp.int32),
            pltpu.SemaphoreType.DMA,
        ],
    )


def kernel(x, A, W, temperature):
    t = jnp.exp(jnp.clip(temperature.astype(jnp.float32), -5.0, 5.0))
    xe = _embed(A, x, W)
    lq, idx = _knn(t.reshape(1, 1), xe)
    lp_flat, edge_flat = _sc_gather()(lq.reshape(-1), idx.reshape(-1))
    edges_hat = edge_flat.reshape(2, _N * _K)
    logprobs = lp_flat.reshape(1, _N, _K)
    return xe[None], edges_hat, logprobs

# --- scband reference (transcript-rebuilt; emitter-appended) ---
"""Pipeline reference for scband-dgm-d-48550310314077 (READ-ONLY COPY).

The authoritative reference and input builder live on the scoring server;
editing this copy changes nothing except your own understanding.
"""

import jax, jax.numpy as jnp
import numpy as np

K = 8

def setup_inputs(seed: int = 0) -> dict:
    key = jax.random.key(seed)
    k1, k2, k3 = jax.random.split(key, 3)
    n, d = 1024, 128
    x = jax.random.normal(k1, (n, d), dtype=jnp.float32)
    A = jax.random.uniform(k2, (n, n), dtype=jnp.float32)
    # embed_f is a user-supplied GNN layer; here a row-normalized linear GCN layer.
    W = jax.random.normal(k3, (d, d), dtype=jnp.float32) * (1.0 / np.sqrt(d))
    temperature = jnp.array(4.0, dtype=jnp.float32)  # nn.Parameter, init 4.0 for euclidean
    return {"x": x, "A": A, "W": W, "temperature": temperature}

def _embed_f(x, A, W):
    A_norm = A / (A.sum(-1, keepdims=True) + 1e-6)
    return (A_norm @ x) @ W

def reference(x, A, W, temperature):
    x = _embed_f(x, A, W)
    if x.ndim == 2:
        x = x[None, ...]
    b, n, d = x.shape
    # sample_without_replacement, distance == 'euclidean'
    G_i = x[:, :, None, :]
    X_j = x[:, None, :, :]
    mD = ((G_i - X_j) ** 2).sum(-1)  # [b, n, n]
    t = jnp.exp(jnp.clip(temperature, -5.0, 5.0))
    lq = mD * t
    # torch.topk(lq, k=K, dim=1, largest=False).indices -> [b, K, n]
    _, idx = jax.lax.top_k(-jnp.moveaxis(lq, 1, -1), K)  # [b, n, K], indices into axis 1
    indices = jnp.moveaxis(idx, -1, 1)  # [b, K, n]
    indices_flat = indices.reshape(b, -1)  # [b, K*n]
    # gather neighbor features along node axis
    x1 = jnp.take_along_axis(x, indices_flat[:, :, None], axis=1)  # [b, K*n, d]
    x2 = jnp.repeat(x[:, :, None, :], K, axis=2).reshape(b, -1, d)  # [b, n*K, d]
    logprobs = (-((x1 - x2) ** 2).sum(-1) * t).reshape(b, -1, K)  # [b, n, K]
    src = indices_flat
    dst = jnp.tile(jnp.arange(n).reshape(1, n, 1), (b, 1, K)).reshape(b, -1)
    edges = jnp.stack((src, dst), -1)  # [b, K*n, 2]
    # sparse=True path: add per-batch node offset, flatten to [2, b*K*n]
    offset = (jnp.arange(b) * n)[:, None, None]
    edges_hat = jnp.swapaxes(edges + offset, 0, 1).reshape(2, -1)
    return x, edges_hat, logprobs

if __name__ == "__main__":
    import jax
    _d = setup_inputs()
    print(jax.jit(kernel)(*tuple(_d.values())))

</pallas_src>

<mosaic_0001>
#map = affine_map<(d0, d1) -> (0)>
module attributes {stable_mosaic.version = 14 : i64} {
  func.func @_sc_gather_body(%arg0: i32, %arg1: i32, %arg2: memref<1048576xf32, #tpu.memory_space<hbm>>, %arg3: memref<8192xi32, #tpu.memory_space<hbm>>, %arg4: memref<8192xf32, #tpu.memory_space<hbm>>, %arg5: memref<16384xi32, #tpu.memory_space<hbm>>, %arg6: memref<256xi32, #tpu.memory_space<vmem>>, %arg7: memref<128xi32, #tpu.memory_space<vmem>>, %arg8: memref<128xi32, #tpu.memory_space<vmem>>, %arg9: memref<512xi32, #tpu.memory_space<vmem>>, %arg10: memref<256xf32, #tpu.memory_space<vmem>>, %arg11: memref<512xi32, #tpu.memory_space<vmem>>, %arg12: memref<!tpu.dma_semaphore, #tpu.memory_space<semaphore_mem>>) attributes {dimension_semantics = [#tpu.dimension_semantics<core_parallel>, #tpu.dimension_semantics<subcore_parallel>], iteration_bounds = array<i64: 2, 16>, scalar_prefetch = 0 : i64, scratch_operands = 7 : i64, tpu.core_type = #tpu.core_type<sc_vector_subcore>, window_params = [{transform_indices = #map}, {transform_indices = #map}, {transform_indices = #map}, {transform_indices = #map}]} {
    %mul3A = arith.constant 2 : i32
    %mul3A_0 = arith.muli %arg1, %mul3A : i32
    %add3A = arith.addi %mul3A_0, %arg0 : i32
    %mul3A_1 = arith.constant 256 : i32
    %mul3A_2 = arith.muli %add3A, %mul3A_1 : i32
    "tpu.region"() ({
      %run_scoped3A = tpu.sem_alloc : memref<!tpu.dma_semaphore, #tpu.memory_space<semaphore_mem>>
      %dma_start3A_1330 = tpu.memref_slice %arg3[%mul3A_2] : memref<8192xi32, #tpu.memory_space<hbm>> -> memref<256xi32, #tpu.memory_space<hbm>>
      %dma_start3A_1331 = tpu.memref_slice %arg3[%mul3A_2] : memref<8192xi32, #tpu.memory_space<hbm>> -> memref<256xi32, #tpu.memory_space<hbm>>
      tpu.enqueue_dma source(%dma_start3A_1331 : memref<256xi32, #tpu.memory_space<hbm>>) target(%arg6 : memref<256xi32, #tpu.memory_space<vmem>>) target_semaphore(%run_scoped3A : memref<!tpu.dma_semaphore, #tpu.memory_space<semaphore_mem>>)
      %dma_wait3A_1332 = tpu.memref_slice %arg3[%mul3A_2] : memref<8192xi32, #tpu.memory_space<hbm>> -> memref<256xi32, #tpu.memory_space<hbm>>
      %dma_wait3A_1333 = tpu.memref_slice %arg3[%mul3A_2] : memref<8192xi32, #tpu.memory_space<hbm>> -> memref<256xi32, #tpu.memory_space<hbm>>
      tpu.wait_dma2 semaphore(%run_scoped3A : memref<!tpu.dma_semaphore, #tpu.memory_space<semaphore_mem>>) src(%dma_wait3A_1333 : memref<256xi32, #tpu.memory_space<hbm>>) dst(%arg6 : memref<256xi32, #tpu.memory_space<vmem>>)
      tpu.yield
    }) : () -> ()
    %iota3A = tpu.iota {dimensions = array<i32: 0>} : vector<16xi32>
    %add3A_3 = arith.constant 0 : i32
    %add3A_4 = vector.broadcast %add3A_3 : i32 to vector<16xi32>
    %add3A_5 = arith.addi %iota3A, %add3A_4 : vector<16xi32>
    %get3A = arith.constant 0 : index
    %get3A_6 = tpu.vector_load %arg6[%get3A] {strides = array<i32>} : memref<256xi32, #tpu.memory_space<vmem>>, vector<16xi32>,
    %get3A_7 = vector.shape_cast %get3A_6 : vector<16xi32> to vector<16xi32>
    %mul3A_8 = arith.constant 1024 : i32
    %mul3A_9 = vector.broadcast %mul3A_8 : i32 to vector<16xi32>
    %mul3A_10 = arith.muli %get3A_7, %mul3A_9 : vector<16xi32>
    %add3A_11 = vector.broadcast %mul3A_2 : i32 to vector<16xi32>
    %add3A_12 = arith.addi %add3A_5, %add3A_11 : vector<16xi32>
    %shift_right_arithmetic3A = arith.constant 3 : i32
    %shift_right_arithmetic3A_13 = vector.broadcast %shift_right_arithmetic3A : i32 to vector<16xi32>
    %shift_right_arithmetic3A_14 = arith.shrsi %add3A_12, %shift_right_arithmetic3A_13 : vector<16xi32>
    %add3A_15 = arith.addi %mul3A_10, %shift_right_arithmetic3A_14 : vector<16xi32>
    %swap3A = arith.constant 0 : index
    %swap3A_16 = tpu.vector_load %arg7[%swap3A] {strides = array<i32>} : memref<128xi32, #tpu.memory_space<vmem>>, vector<16xi32>,
    %swap3A_17 = vector.shape_cast %swap3A_16 : vector<16xi32> to vector<16xi32>
    %swap3A_18 = vector.shape_cast %add3A_15 : vector<16xi32> to vector<16xi32>
    tpu.vector_store %arg7[%swap3A], %swap3A_18 {strides = array<i32>} : memref<128xi32, #tpu.memory_space<vmem>>, vector<16xi32>,
    %add3A_19 = arith.constant 16 : i32
    %add3A_20 = vector.broadcast %add3A_19 : i32 to vector<16xi32>
    %add3A_21 = arith.addi %iota3A, %add3A_20 : vector<16xi32>
    %get3A_22 = arith.constant 16 : index
    %get3A_23 = tpu.vector_load %arg6[%get3A_22] {strides = array<i32>} : memref<256xi32, #tpu.memory_space<vmem>>, vector<16xi32>,
    %get3A_24 = vector.shape_cast %get3A_23 : vector<16xi32> to vector<16xi32>
    %mul3A_25 = arith.constant 1024 : i32
    %mul3A_26 = vector.broadcast %mul3A_25 : i32 to vector<16xi32>
    %mul3A_27 = arith.muli %get3A_24, %mul3A_26 : vector<16xi32>
    %add3A_28 = vector.broadcast %mul3A_2 : i32 to vector<16xi32>
    %add3A_29 = arith.addi %add3A_21, %add3A_28 : vector<16xi32>
    %shift_right_arithmetic3A_30 = arith.constant 3 : i32
    %shift_right_arithmetic3A_31 = vector.broadcast %shift_right_arithmetic3A_30 : i32 to vector<16xi32>
    %shift_right_arithmetic3A_32 = arith.shrsi %add3A_29, %shift_right_arithmetic3A_31 : vector<16xi32>
    %add3A_33 = arith.addi %mul3A_27, %shift_right_arithmetic3A_32 : vector<16xi32>
    %swap3A_34 = arith.constant 16 : index
    %swap3A_35 = tpu.vector_load %arg7[%swap3A_34] {strides = array<i32>} : memref<128xi32, #tpu.memory_space<vmem>>, vector<16xi32>,
    %swap3A_36 = vector.shape_cast %swap3A_35 : vector<16xi32> to vector<16xi32>
    %swap3A_37 = vector.shape_cast %add3A_33 : vector<16xi32> to vector<16xi32>
    tpu.vector_store %arg7[%swap3A_34], %swap3A_37 {strides = array<i32>} : memref<128xi32, #tpu.memory_space<vmem>>, vector<16xi32>,
    %add3A_38 = arith.constant 32 : i32
    %add3A_39 = vector.broadcast %add3A_38 : i32 to vector<16xi32>
    %add3A_40 = arith.addi %iota3A, %add3A_39 : vector<16xi32>
    %get3A_41 = arith.constant 32 : index
    %get3A_42 = tpu.vector_load %arg6[%get3A_41] {strides = array<i32>} : memref<256xi32, #tpu.memory_space<vmem>>, vector<16xi32>,
    %get3A_43 = vector.shape_cast %get3A_42 : vector<16xi32> to vector<16xi32>
    %mul3A_44 = arith.constant 1024 : i32
    %mul3A_45 = vector.broadcast %mul3A_44 : i32 to vector<16xi32>
    %mul3A_46 = arith.muli %get3A_43, %mul3A_45 : vector<16xi32>
    %add3A_47 = vector.broadcast %mul3A_2 : i32 to vector<16xi32>
    %add3A_48 = arith.addi %add3A_40, %add3A_47 : vector<16xi32>
    %shift_right_arithmetic3A_49 = arith.constant 3 : i32
    %shift_right_arithmetic3A_50 = vector.broadcast %shift_right_arithmetic3A_49 : i32 to vector<16xi32>
    %shift_right_arithmetic3A_51 = arith.shrsi %add3A_48, %shift_right_arithmetic3A_50 : vector<16xi32>
    %add3A_52 = arith.addi %mul3A_46, %shift_right_arithmetic3A_51 : vector<16xi32>
    %swap3A_53 = arith.constant 32 : index
    %swap3A_54 = tpu.vector_load %arg7[%swap3A_53] {strides = array<i32>} : memref<128xi32, #tpu.memory_space<vmem>>, vector<16xi32>,
    %swap3A_55 = vector.shape_cast %swap3A_54 : vector<16xi32> to vector<16xi32>
    %swap3A_56 = vector.shape_cast %add3A_52 : vector<16xi32> to vector<16xi32>
    tpu.vector_store %arg7[%swap3A_53], %swap3A_56 {strides = array<i32>} : memref<128xi32, #tpu.memory_space<vmem>>, vector<16xi32>,
    %add3A_57 = arith.constant 48 : i32
    %add3A_58 = vector.broadcast %add3A_57 : i32 to vector<16xi32>
    %add3A_59 = arith.addi %iota3A, %add3A_58 : vector<16xi32>
    %get3A_60 = arith.constant 48 : index
    %get3A_61 = tpu.vector_load %arg6[%get3A_60] {strides = array<i32>} : memref<256xi32, #tpu.memory_space<vmem>>, vector<16xi32>,
    %get3A_62 = vector.shape_cast %get3A_61 : vector<16xi32> to vector<16xi32>
    %mul3A_63 = arith.constant 1024 : i32
    %mul3A_64 = vector.broadcast %mul3A_63 : i32 to vector<16xi32>
    %mul3A_65 = arith.muli %get3A_62, %mul3A_64 : vector<16xi32>
    %add3A_66 = vector.broadcast %mul3A_2 : i32 to vector<16xi32>
    %add3A_67 = arith.addi %add3A_59, %add3A_66 : vector<16xi32>
    %shift_right_arithmetic3A_68 = arith.constant 3 : i32
    %shift_right_arithmetic3A_69 = vector.broadcast %shift_right_arithmetic3A_68 : i32 to vector<16xi32>
    %shift_right_arithmetic3A_70 = arith.shrsi %add3A_67, %shift_right_arithmetic3A_69 : vector<16xi32>
    %add3A_71 = arith.addi %mul3A_65, %shift_right_arithmetic3A_70 : vector<16xi32>
    %swap3A_72 = arith.constant 48 : index
    %swap3A_73 = tpu.vector_load %arg7[%swap3A_72] {strides = array<i32>} : memref<128xi32, #tpu.memory_space<vmem>>, vector<16xi32>,
    %swap3A_74 = vector.shape_cast %swap3A_73 : vector<16xi32> to vector<16xi32>
    %swap3A_75 = vector.shape_cast %add3A_71 : vector<16xi32> to vector<16xi32>
    tpu.vector_store %arg7[%swap3A_72], %swap3A_75 {strides = array<i32>} : memref<128xi32, #tpu.memory_space<vmem>>, vector<16xi32>,
    %add3A_76 = arith.constant 64 : i32
    %add3A_77 = vector.broadcast %add3A_76 : i32 to vector<16xi32>
    %add3A_78 = arith.addi %iota3A, %add3A_77 : vector<16xi32>
    %get3A_79 = arith.constant 64 : index
    %get3A_80 = tpu.vector_load %arg6[%get3A_79] {strides = array<i32>} : memref<256xi32, #tpu.memory_space<vmem>>, vector<16xi32>,
    %get3A_81 = vector.shape_cast %get3A_80 : vector<16xi32> to vector<16xi32>
    %mul3A_82 = arith.constant 1024 : i32
    %mul3A_83 = vector.broadcast %mul3A_82 : i32 to vector<16xi32>
    %mul3A_84 = arith.muli %get3A_81, %mul3A_83 : vector<16xi32>
    %add3A_85 = vector.broadcast %mul3A_2 : i32 to vector<16xi32>
    %add3A_86 = arith.addi %add3A_78, %add3A_85 : vector<16xi32>
    %shift_right_arithmetic3A_87 = arith.constant 3 : i32
    %shift_right_arithmetic3A_88 = vector.broadcast %shift_right_arithmetic3A_87 : i32 to vector<16xi32>
    %shift_right_arithmetic3A_89 = arith.shrsi %add3A_86, %shift_right_arithmetic3A_88 : vector<16xi32>
    %add3A_90 = arith.addi %mul3A_84, %shift_right_arithmetic3A_89 : vector<16xi32>
    %swap3A_91 = arith.constant 64 : index
    %swap3A_92 = tpu.vector_load %arg7[%swap3A_91] {strides = array<i32>} : memref<128xi32, #tpu.memory_space<vmem>>, vector<16xi32>,
    %swap3A_93 = vector.shape_cast %swap3A_92 : vector<16xi32> to vector<16xi32>
    %swap3A_94 = vector.shape_cast %add3A_90 : vector<16xi32> to vector<16xi32>
    tpu.vector_store %arg7[%swap3A_91], %swap3A_94 {strides = array<i32>} : memref<128xi32, #tpu.memory_space<vmem>>, vector<16xi32>,
    %add3A_95 = arith.constant 80 : i32
    %add3A_96 = vector.broadcast %add3A_95 : i32 to vector<16xi32>
    %add3A_97 = arith.addi %iota3A, %add3A_96 : vector<16xi32>
    %get3A_98 = arith.constant 80 : index
    %get3A_99 = tpu.vector_load %arg6[%get3A_98] {strides = array<i32>} : memref<256xi32, #tpu.memory_space<vmem>>, vector<16xi32>,
    %get3A_100 = vector.shape_cast %get3A_99 : vector<16xi32> to vector<16xi32>
    %mul3A_101 = arith.constant 1024 : i32
    %mul3A_102 = vector.broadcast %mul3A_101 : i32 to vector<16xi32>
    %mul3A_103 = arith.muli %get3A_100, %mul3A_102 : vector<16xi32>
    %add3A_104 = vector.broadcast %mul3A_2 : i32 to vector<16xi32>
    %add3A_105 = arith.addi %add3A_97, %add3A_104 : vector<16xi32>
    %shift_right_arithmetic3A_106 = arith.constant 3 : i32
    %shift_right_arithmetic3A_107 = vector.broadcast %shift_right_arithmetic3A_106 : i32 to vector<16xi32>
    %shift_right_arithmetic3A_108 = arith.shrsi %add3A_105, %shift_right_arithmetic3A_107 : vector<16xi32>
    %add3A_109 = arith.addi %mul3A_103, %shift_right_arithmetic3A_108 : vector<16xi32>
    %swap3A_110 = arith.constant 80 : index
    %swap3A_111 = tpu.vector_load %arg7[%swap3A_110] {strides = array<i32>} : memref<128xi32, #tpu.memory_space<vmem>>, vector<16xi32>,
    %swap3A_112 = vector.shape_cast %swap3A_111 : vector<16xi32> to vector<16xi32>
    %swap3A_113 = vector.shape_cast %add3A_109 : vector<16xi32> to vector<16xi32>
    tpu.vector_store %arg7[%swap3A_110], %swap3A_113 {strides = array<i32>} : memref<128xi32, #tpu.memory_space<vmem>>, vector<16xi32>,
    %add3A_114 = arith.constant 96 : i32
    %add3A_115 = vector.broadcast %add3A_114 : i32 to vector<16xi32>
    %add3A_116 = arith.addi %iota3A, %add3A_115 : vector<16xi32>
    %get3A_117 = arith.constant 96 : index
    %get3A_118 = tpu.vector_load %arg6[%get3A_117] {strides = array<i32>} : memref<256xi32, #tpu.memory_space<vmem>>, vector<16xi32>,
    %get3A_119 = vector.shape_cast %get3A_118 : vector<16xi32> to vector<16xi32>
    %mul3A_120 = arith.constant 1024 : i32
    %mul3A_121 = vector.broadcast %mul3A_120 : i32 to vector<16xi32>
    %mul3A_122 = arith.muli %get3A_119, %mul3A_121 : vector<16xi32>
    %add3A_123 = vector.broadcast %mul3A_2 : i32 to vector<16xi32>
    %add3A_124 = arith.addi %add3A_116, %add3A_123 : vector<16xi32>
    %shift_right_arithmetic3A_125 = arith.constant 3 : i32
    %shift_right_arithmetic3A_126 = vector.broadcast %shift_right_arithmetic3A_125 : i32 to vector<16xi32>
    %shift_right_arithmetic3A_127 = arith.shrsi %add3A_124, %shift_right_arithmetic3A_126 : vector<16xi32>
    %add3A_128 = arith.addi %mul3A_122, %shift_right_arithmetic3A_127 : vector<16xi32>
    %swap3A_129 = arith.constant 96 : index
    %swap3A_130 = tpu.vector_load %arg7[%swap3A_129] {strides = array<i32>} : memref<128xi32, #tpu.memory_space<vmem>>, vector<16xi32>,
    %swap3A_131 = vector.shape_cast %swap3A_130 : vector<16xi32> to vector<16xi32>
    %swap3A_132 = vector.shape_cast %add3A_128 : vector<16xi32> to vector<16xi32>
    tpu.vector_store %arg7[%swap3A_129], %swap3A_132 {strides = array<i32>} : memref<128xi32, #tpu.memory_space<vmem>>, vector<16xi32>,
    %add3A_133 = arith.constant 112 : i32
    %add3A_134 = vector.broadcast %add3A_133 : i32 to vector<16xi32>
    %add3A_135 = arith.addi %iota3A, %add3A_134 : vector<16xi32>
    %get3A_136 = arith.constant 112 : index
    %get3A_137 = tpu.vector_load %arg6[%get3A_136] {strides = array<i32>} : memref<256xi32, #tpu.memory_space<vmem>>, vector<16xi32>,
    %get3A_138 = vector.shape_cast %get3A_137 : vector<16xi32> to vector<16xi32>
    %mul3A_139 = arith.constant 1024 : i32
    %mul3A_140 = vector.broadcast %mul3A_139 : i32 to vector<16xi32>
    %mul3A_141 = arith.muli %get3A_138, %mul3A_140 : vector<16xi32>
    %add3A_142 = vector.broadcast %mul3A_2 : i32 to vector<16xi32>
    %add3A_143 = arith.addi %add3A_135, %add3A_142 : vector<16xi32>
    %shift_right_arithmetic3A_144 = arith.constant 3 : i32
    %shift_right_arithmetic3A_145 = vector.broadcast %shift_right_arithmetic3A_144 : i32 to vector<16xi32>
    %shift_right_arithmetic3A_146 = arith.shrsi %add3A_143, %shift_right_arithmetic3A_145 : vector<16xi32>
    %add3A_147 = arith.addi %mul3A_141, %shift_right_arithmetic3A_146 : vector<16xi32>
    %swap3A_148 = arith.constant 112 : index
    %swap3A_149 = tpu.vector_load %arg7[%swap3A_148] {strides = array<i32>} : memref<128xi32, #tpu.memory_space<vmem>>, vector<16xi32>,
    %swap3A_150 = vector.shape_cast %swap3A_149 : vector<16xi32> to vector<16xi32>
    %swap3A_151 = vector.shape_cast %add3A_147 : vector<16xi32> to vector<16xi32>
    tpu.vector_store %arg7[%swap3A_148], %swap3A_151 {strides = array<i32>} : memref<128xi32, #tpu.memory_space<vmem>>, vector<16xi32>,
    %add3A_152 = arith.constant 128 : i32
    %add3A_153 = vector.broadcast %add3A_152 : i32 to vector<16xi32>
    %add3A_154 = arith.addi %iota3A, %add3A_153 : vector<16xi32>
    %get3A_155 = arith.constant 128 : index
    %get3A_156 = tpu.vector_load %arg6[%get3A_155] {strides = array<i32>} : memref<256xi32, #tpu.memory_space<vmem>>, vector<16xi32>,
    %get3A_157 = vector.shape_cast %get3A_156 : vector<16xi32> to vector<16xi32>
    %mul3A_158 = arith.constant 1024 : i32
    %mul3A_159 = vector.broadcast %mul3A_158 : i32 to vector<16xi32>
    %mul3A_160 = arith.muli %get3A_157, %mul3A_159 : vector<16xi32>
    %add3A_161 = vector.broadcast %mul3A_2 : i32 to vector<16xi32>
    %add3A_162 = arith.addi %add3A_154, %add3A_161 : vector<16xi32>
    %shift_right_arithmetic3A_163 = arith.constant 3 : i32
    %shift_right_arithmetic3A_164 = vector.broadcast %shift_right_arithmetic3A_163 : i32 to vector<16xi32>
    %shift_right_arithmetic3A_165 = arith.shrsi %add3A_162, %shift_right_arithmetic3A_164 : vector<16xi32>
    %add3A_166 = arith.addi %mul3A_160, %shift_right_arithmetic3A_165 : vector<16xi32>
    %swap3A_167 = arith.constant 0 : index
    %swap3A_168 = tpu.vector_load %arg8[%swap3A_167] {strides = array<i32>} : memref<128xi32, #tpu.memory_space<vmem>>, vector<16xi32>,
    %swap3A_169 = vector.shape_cast %swap3A_168 : vector<16xi32> to vector<16xi32>
    %swap3A_170 = vector.shape_cast %add3A_166 : vector<16xi32> to vector<16xi32>
    tpu.vector_store %arg8[%swap3A_167], %swap3A_170 {strides = array<i32>} : memref<128xi32, #tpu.memory_space<vmem>>, vector<16xi32>,
    %add3A_171 = arith.constant 144 : i32
    %add3A_172 = vector.broadcast %add3A_171 : i32 to vector<16xi32>
    %add3A_173 = arith.addi %iota3A, %add3A_172 : vector<16xi32>
    %get3A_174 = arith.constant 144 : index
    %get3A_175 = tpu.vector_load %arg6[%get3A_174] {strides = array<i32>} : memref<256xi32, #tpu.memory_space<vmem>>, vector<16xi32>,
    %get3A_176 = vector.shape_cast %get3A_175 : vector<16xi32> to vector<16xi32>
    %mul3A_177 = arith.constant 1024 : i32
    %mul3A_178 = vector.broadcast %mul3A_177 : i32 to vector<16xi32>
    %mul3A_179 = arith.muli %get3A_176, %mul3A_178 : vector<16xi32>
    %add3A_180 = vector.broadcast %mul3A_2 : i32 to vector<16xi32>
    %add3A_181 = arith.addi %add3A_173, %add3A_180 : vector<16xi32>
    %shift_right_arithmetic3A_182 = arith.constant 3 : i32
    %shift_right_arithmetic3A_183 = vector.broadcast %shift_right_arithmetic3A_182 : i32 to vector<16xi32>
    %shift_right_arithmetic3A_184 = arith.shrsi %add3A_181, %shift_right_arithmetic3A_183 : vector<16xi32>
    %add3A_185 = arith.addi %mul3A_179, %shift_right_arithmetic3A_184 : vector<16xi32>
    %swap3A_186 = arith.constant 16 : index
    %swap3A_187 = tpu.vector_load %arg8[%swap3A_186] {strides = array<i32>} : memref<128xi32, #tpu.memory_space<vmem>>, vector<16xi32>,
    %swap3A_188 = vector.shape_cast %swap3A_187 : vector<16xi32> to vector<16xi32>
    %swap3A_189 = vector.shape_cast %add3A_185 : vector<16xi32> to vector<16xi32>
    tpu.vector_store %arg8[%swap3A_186], %swap3A_189 {strides = array<i32>} : memref<128xi32, #tpu.memory_space<vmem>>, vector<16xi32>,
    %add3A_190 = arith.constant 160 : i32
    %add3A_191 = vector.broadcast %add3A_190 : i32 to vector<16xi32>
    %add3A_192 = arith.addi %iota3A, %add3A_191 : vector<16xi32>
    %get3A_193 = arith.constant 160 : index
    %get3A_194 = tpu.vector_load %arg6[%get3A_193] {strides = array<i32>} : memref<256xi32, #tpu.memory_space<vmem>>, vector<16xi32>,
    %get3A_195 = vector.shape_cast %get3A_194 : vector<16xi32> to vector<16xi32>
    %mul3A_196 = arith.constant 1024 : i32
    %mul3A_197 = vector.broadcast %mul3A_196 : i32 to vector<16xi32>
    %mul3A_198 = arith.muli %get3A_195, %mul3A_197 : vector<16xi32>
    %add3A_199 = vector.broadcast %mul3A_2 : i32 to vector<16xi32>
    %add3A_200 = arith.addi %add3A_192, %add3A_199 : vector<16xi32>
    %shift_right_arithmetic3A_201 = arith.constant 3 : i32
    %shift_right_arithmetic3A_202 = vector.broadcast %shift_right_arithmetic3A_201 : i32 to vector<16xi32>
    %shift_right_arithmetic3A_203 = arith.shrsi %add3A_200, %shift_right_arithmetic3A_202 : vector<16xi32>
    %add3A_204 = arith.addi %mul3A_198, %shift_right_arithmetic3A_203 : vector<16xi32>
    %swap3A_205 = arith.constant 32 : index
    %swap3A_206 = tpu.vector_load %arg8[%swap3A_205] {strides = array<i32>} : memref<128xi32, #tpu.memory_space<vmem>>, vector<16xi32>,
    %swap3A_207 = vector.shape_cast %swap3A_206 : vector<16xi32> to vector<16xi32>
    %swap3A_208 = vector.shape_cast %add3A_204 : vector<16xi32> to vector<16xi32>
    tpu.vector_store %arg8[%swap3A_205], %swap3A_208 {strides = array<i32>} : memref<128xi32, #tpu.memory_space<vmem>>, vector<16xi32>,
    %add3A_209 = arith.constant 176 : i32
    %add3A_210 = vector.broadcast %add3A_209 : i32 to vector<16xi32>
    %add3A_211 = arith.addi %iota3A, %add3A_210 : vector<16xi32>
    %get3A_212 = arith.constant 176 : index
    %get3A_213 = tpu.vector_load %arg6[%get3A_212] {strides = array<i32>} : memref<256xi32, #tpu.memory_space<vmem>>, vector<16xi32>,
    %get3A_214 = vector.shape_cast %get3A_213 : vector<16xi32> to vector<16xi32>
    %mul3A_215 = arith.constant 1024 : i32
    %mul3A_216 = vector.broadcast %mul3A_215 : i32 to vector<16xi32>
    %mul3A_217 = arith.muli %get3A_214, %mul3A_216 : vector<16xi32>
    %add3A_218 = vector.broadcast %mul3A_2 : i32 to vector<16xi32>
    %add3A_219 = arith.addi %add3A_211, %add3A_218 : vector<16xi32>
    %shift_right_arithmetic3A_220 = arith.constant 3 : i32
    %shift_right_arithmetic3A_221 = vector.broadcast %shift_right_arithmetic3A_220 : i32 to vector<16xi32>
    %shift_right_arithmetic3A_222 = arith.shrsi %add3A_219, %shift_right_arithmetic3A_221 : vector<16xi32>
    %add3A_223 = arith.addi %mul3A_217, %shift_right_arithmetic3A_222 : vector<16xi32>
    %swap3A_224 = arith.constant 48 : index
    %swap3A_225 = tpu.vector_load %arg8[%swap3A_224] {strides = array<i32>} : memref<128xi32, #tpu.memory_space<vmem>>, vector<16xi32>,
    %swap3A_226 = vector.shape_cast %swap3A_225 : vector<16xi32> to vector<16xi32>
    %swap3A_227 = vector.shape_cast %add3A_223 : vector<16xi32> to vector<16xi32>
    tpu.vector_store %arg8[%swap3A_224], %swap3A_227 {strides = array<i32>} : memref<128xi32, #tpu.memory_space<vmem>>, vector<16xi32>,
    %add3A_228 = arith.constant 192 : i32
    %add3A_229 = vector.broadcast %add3A_228 : i32 to vector<16xi32>
    %add3A_230 = arith.addi %iota3A, %add3A_229 : vector<16xi32>
    %get3A_231 = arith.constant 192 : index
    %get3A_232 = tpu.vector_load %arg6[%get3A_231] {strides = array<i32>} : memref<256xi32, #tpu.memory_space<vmem>>, vector<16xi32>,
    %get3A_233 = vector.shape_cast %get3A_232 : vector<16xi32> to vector<16xi32>
    %mul3A_234 = arith.constant 1024 : i32
    %mul3A_235 = vector.broadcast %mul3A_234 : i32 to vector<16xi32>
    %mul3A_236 = arith.muli %get3A_233, %mul3A_235 : vector<16xi32>
    %add3A_237 = vector.broadcast %mul3A_2 : i32 to vector<16xi32>
    %add3A_238 = arith.addi %add3A_230, %add3A_237 : vector<16xi32>
    %shift_right_arithmetic3A_239 = arith.constant 3 : i32
    %shift_right_arithmetic3A_240 = vector.broadcast %shift_right_arithmetic3A_239 : i32 to vector<16xi32>
    %shift_right_arithmetic3A_241 = arith.shrsi %add3A_238, %shift_right_arithmetic3A_240 : vector<16xi32>
    %add3A_242 = arith.addi %mul3A_236, %shift_right_arithmetic3A_241 : vector<16xi32>
    %swap3A_243 = arith.constant 64 : index
    %swap3A_244 = tpu.vector_load %arg8[%swap3A_243] {strides = array<i32>} : memref<128xi32, #tpu.memory_space<vmem>>, vector<16xi32>,
    %swap3A_245 = vector.shape_cast %swap3A_244 : vector<16xi32> to vector<16xi32>
    %swap3A_246 = vector.shape_cast %add3A_242 : vector<16xi32> to vector<16xi32>
    tpu.vector_store %arg8[%swap3A_243], %swap3A_246 {strides = array<i32>} : memref<128xi32, #tpu.memory_space<vmem>>, vector<16xi32>,
    %add3A_247 = arith.constant 208 : i32
    %add3A_248 = vector.broadcast %add3A_247 : i32 to vector<16xi32>
    %add3A_249 = arith.addi %iota3A, %add3A_248 : vector<16xi32>
    %get3A_250 = arith.constant 208 : index
    %get3A_251 = tpu.vector_load %arg6[%get3A_250] {strides = array<i32>} : memref<256xi32, #tpu.memory_space<vmem>>, vector<16xi32>,
    %get3A_252 = vector.shape_cast %get3A_251 : vector<16xi32> to vector<16xi32>
    %mul3A_253 = arith.constant 1024 : i32
    %mul3A_254 = vector.broadcast %mul3A_253 : i32 to vector<16xi32>
    %mul3A_255 = arith.muli %get3A_252, %mul3A_254 : vector<16xi32>
    %add3A_256 = vector.broadcast %mul3A_2 : i32 to vector<16xi32>
    %add3A_257 = arith.addi %add3A_249, %add3A_256 : vector<16xi32>
    %shift_right_arithmetic3A_258 = arith.constant 3 : i32
    %shift_right_arithmetic3A_259 = vector.broadcast %shift_right_arithmetic3A_258 : i32 to vector<16xi32>
    %shift_right_arithmetic3A_260 = arith.shrsi %add3A_257, %shift_right_arithmetic3A_259 : vector<16xi32>
    %add3A_261 = arith.addi %mul3A_255, %shift_right_arithmetic3A_260 : vector<16xi32>
    %swap3A_262 = arith.constant 80 : index
    %swap3A_263 = tpu.vector_load %arg8[%swap3A_262] {strides = array<i32>} : memref<128xi32, #tpu.memory_space<vmem>>, vector<16xi32>,
    %swap3A_264 = vector.shape_cast %swap3A_263 : vector<16xi32> to vector<16xi32>
    %swap3A_265 = vector.shape_cast %add3A_261 : vector<16xi32> to vector<16xi32>
    tpu.vector_store %arg8[%swap3A_262], %swap3A_265 {strides = array<i32>} : memref<128xi32, #tpu.memory_space<vmem>>, vector<16xi32>,
    %add3A_266 = arith.constant 224 : i32
    %add3A_267 = vector.broadcast %add3A_266 : i32 to vector<16xi32>
    %add3A_268 = arith.addi %iota3A, %add3A_267 : vector<16xi32>
    %get3A_269 = arith.constant 224 : index
    %get3A_270 = tpu.vector_load %arg6[%get3A_269] {strides = array<i32>} : memref<256xi32, #tpu.memory_space<vmem>>, vector<16xi32>,
    %get3A_271 = vector.shape_cast %get3A_270 : vector<16xi32> to vector<16xi32>
    %mul3A_272 = arith.constant 1024 : i32
    %mul3A_273 = vector.broadcast %mul3A_272 : i32 to vector<16xi32>
    %mul3A_274 = arith.muli %get3A_271, %mul3A_273 : vector<16xi32>
    %add3A_275 = vector.broadcast %mul3A_2 : i32 to vector<16xi32>
    %add3A_276 = arith.addi %add3A_268, %add3A_275 : vector<16xi32>
    %shift_right_arithmetic3A_277 = arith.constant 3 : i32
    %shift_right_arithmetic3A_278 = vector.broadcast %shift_right_arithmetic3A_277 : i32 to vector<16xi32>
    %shift_right_arithmetic3A_279 = arith.shrsi %add3A_276, %shift_right_arithmetic3A_278 : vector<16xi32>
    %add3A_280 = arith.addi %mul3A_274, %shift_right_arithmetic3A_279 : vector<16xi32>
    %swap3A_281 = arith.constant 96 : index
    %swap3A_282 = tpu.vector_load %arg8[%swap3A_281] {strides = array<i32>} : memref<128xi32, #tpu.memory_space<vmem>>, vector<16xi32>,
    %swap3A_283 = vector.shape_cast %swap3A_282 : vector<16xi32> to vector<16xi32>
    %swap3A_284 = vector.shape_cast %add3A_280 : vector<16xi32> to vector<16xi32>
    tpu.vector_store %arg8[%swap3A_281], %swap3A_284 {strides = array<i32>} : memref<128xi32, #tpu.memory_space<vmem>>, vector<16xi32>,
    %add3A_285 = arith.constant 240 : i32
    %add3A_286 = vector.broadcast %add3A_285 : i32 to vector<16xi32>
    %add3A_287 = arith.addi %iota3A, %add3A_286 : vector<16xi32>
    %get3A_288 = arith.constant 240 : index
    %get3A_289 = tpu.vector_load %arg6[%get3A_288] {strides = array<i32>} : memref<256xi32, #tpu.memory_space<vmem>>, vector<16xi32>,
    %get3A_290 = vector.shape_cast %get3A_289 : vector<16xi32> to vector<16xi32>
    %mul3A_291 = arith.constant 1024 : i32
    %mul3A_292 = vector.broadcast %mul3A_291 : i32 to vector<16xi32>
    %mul3A_293 = arith.muli %get3A_290, %mul3A_292 : vector<16xi32>
    %add3A_294 = vector.broadcast %mul3A_2 : i32 to vector<16xi32>
    %add3A_295 = arith.addi %add3A_287, %add3A_294 : vector<16xi32>
    %shift_right_arithmetic3A_296 = arith.constant 3 : i32
    %shift_right_arithmetic3A_297 = vector.broadcast %shift_right_arithmetic3A_296 : i32 to vector<16xi32>
    %shift_right_arithmetic3A_298 = arith.shrsi %add3A_295, %shift_right_arithmetic3A_297 : vector<16xi32>
    %add3A_299 = arith.addi %mul3A_293, %shift_right_arithmetic3A_298 : vector<16xi32>
    %swap3A_300 = arith.constant 112 : index
    %swap3A_301 = tpu.vector_load %arg8[%swap3A_300] {strides = array<i32>} : memref<128xi32, #tpu.memory_space<vmem>>, vector<16xi32>,
    %swap3A_302 = vector.shape_cast %swap3A_301 : vector<16xi32> to vector<16xi32>
    %swap3A_303 = vector.shape_cast %add3A_299 : vector<16xi32> to vector<16xi32>
    tpu.vector_store %arg8[%swap3A_300], %swap3A_303 {strides = array<i32>} : memref<128xi32, #tpu.memory_space<vmem>>, vector<16xi32>,
    %add3A_304 = arith.constant 0 : i32
    %add3A_305 = arith.addi %mul3A_2, %add3A_304 : i32
    %shift_right_arithmetic3A_306 = arith.constant 1 : i32
    %shift_right_arithmetic3A_307 = vector.broadcast %shift_right_arithmetic3A_306 : i32 to vector<16xi32>
    %shift_right_arithmetic3A_308 = arith.shrsi %iota3A, %shift_right_arithmetic3A_307 : vector<16xi32>
    %add3A_309 = vector.broadcast %add3A_305 : i32 to vector<16xi32>
    %add3A_310 = arith.addi %add3A_309, %shift_right_arithmetic3A_308 : vector<16xi32>
    %swap3A_311 = arith.constant 0 : index
    %swap3A_312 = tpu.vector_load %arg9[%swap3A_311] {strides = array<i32>} : memref<512xi32, #tpu.memory_space<vmem>>, vector<16xi32>,
    %swap3A_313 = vector.shape_cast %swap3A_312 : vector<16xi32> to vector<16xi32>
    %swap3A_314 = vector.shape_cast %add3A_310 : vector<16xi32> to vector<16xi32>
    tpu.vector_store %arg9[%swap3A_311], %swap3A_314 {strides = array<i32>} : memref<512xi32, #tpu.memory_space<vmem>>, vector<16xi32>,
    %add3A_315 = arith.constant 8 : i32
    %add3A_316 = arith.addi %mul3A_2, %add3A_315 : i32
    %shift_right_arithmetic3A_317 = arith.constant 1 : i32
    %shift_right_arithmetic3A_318 = vector.broadcast %shift_right_arithmetic3A_317 : i32 to vector<16xi32>
    %shift_right_arithmetic3A_319 = arith.shrsi %iota3A, %shift_right_arithmetic3A_318 : vector<16xi32>
    %add3A_320 = vector.broadcast %add3A_316 : i32 to vector<16xi32>
    %add3A_321 = arith.addi %add3A_320, %shift_right_arithmetic3A_319 : vector<16xi32>
    %swap3A_322 = arith.constant 16 : index
    %swap3A_323 = tpu.vector_load %arg9[%swap3A_322] {strides = array<i32>} : memref<512xi32, #tpu.memory_space<vmem>>, vector<16xi32>,
    %swap3A_324 = vector.shape_cast %swap3A_323 : vector<16xi32> to vector<16xi32>
    %swap3A_325 = vector.shape_cast %add3A_321 : vector<16xi32> to vector<16xi32>
    tpu.vector_store %arg9[%swap3A_322], %swap3A_325 {strides = array<i32>} : memref<512xi32, #tpu.memory_space<vmem>>, vector<16xi32>,
    %add3A_326 = arith.constant 16 : i32
    %add3A_327 = arith.addi %mul3A_2, %add3A_326 : i32
    %shift_right_arithmetic3A_328 = arith.constant 1 : i32
    %shift_right_arithmetic3A_329 = vector.broadcast %shift_right_arithmetic3A_328 : i32 to vector<16xi32>
    %shift_right_arithmetic3A_330 = arith.shrsi %iota3A, %shift_right_arithmetic3A_329 : vector<16xi32>
    %add3A_331 = vector.broadcast %add3A_327 : i32 to vector<16xi32>
    %add3A_332 = arith.addi %add3A_331, %shift_right_arithmetic3A_330 : vector<16xi32>
    %swap3A_333 = arith.constant 32 : index
    %swap3A_334 = tpu.vector_load %arg9[%swap3A_333] {strides = array<i32>} : memref<512xi32, #tpu.memory_space<vmem>>, vector<16xi32>,
    %swap3A_335 = vector.shape_cast %swap3A_334 : vector<16xi32> to vector<16xi32>
    %swap3A_336 = vector.shape_cast %add3A_332 : vector<16xi32> to vector<16xi32>
    tpu.vector_store %arg9[%swap3A_333], %swap3A_336 {strides = array<i32>} : memref<512xi32, #tpu.memory_space<vmem>>, vector<16xi32>,
    %add3A_337 = arith.constant 24 : i32
    %add3A_338 = arith.addi %mul3A_2, %add3A_337 : i32
    %shift_right_arithmetic3A_339 = arith.constant 1 : i32
    %shift_right_arithmetic3A_340 = vector.broadcast %shift_right_arithmetic3A_339 : i32 to vector<16xi32>
    %shift_right_arithmetic3A_341 = arith.shrsi %iota3A, %shift_right_arithmetic3A_340 : vector<16xi32>
    %add3A_342 = vector.broadcast %add3A_338 : i32 to vector<16xi32>
    %add3A_343 = arith.addi %add3A_342, %shift_right_arithmetic3A_341 : vector<16xi32>
    %swap3A_344 = arith.constant 48 : index
    %swap3A_345 = tpu.vector_load %arg9[%swap3A_344] {strides = array<i32>} : memref<512xi32, #tpu.memory_space<vmem>>, vector<16xi32>,
    %swap3A_346 = vector.shape_cast %swap3A_345 : vector<16xi32> to vector<16xi32>
    %swap3A_347 = vector.shape_cast %add3A_343 : vector<16xi32> to vector<16xi32>
    tpu.vector_store %arg9[%swap3A_344], %swap3A_347 {strides = array<i32>} : memref<512xi32, #tpu.memory_space<vmem>>, vector<16xi32>,
    %add3A_348 = arith.constant 32 : i32
    %add3A_349 = arith.addi %mul3A_2, %add3A_348 : i32
    %shift_right_arithmetic3A_350 = arith.constant 1 : i32
    %shift_right_arithmetic3A_351 = vector.broadcast %shift_right_arithmetic3A_350 : i32 to vector<16xi32>
    %shift_right_arithmetic3A_352 = arith.shrsi %iota3A, %shift_right_arithmetic3A_351 : vector<16xi32>
    %add3A_353 = vector.broadcast %add3A_349 : i32 to vector<16xi32>
    %add3A_354 = arith.addi %add3A_353, %shift_right_arithmetic3A_352 : vector<16xi32>
    %swap3A_355 = arith.constant 64 : index
    %swap3A_356 = tpu.vector_load %arg9[%swap3A_355] {strides = array<i32>} : memref<512xi32, #tpu.memory_space<vmem>>, vector<16xi32>,
    %swap3A_357 = vector.shape_cast %swap3A_356 : vector<16xi32> to vector<16xi32>
    %swap3A_358 = vector.shape_cast %add3A_354 : vector<16xi32> to vector<16xi32>
    tpu.vector_store %arg9[%swap3A_355], %swap3A_358 {strides = array<i32>} : memref<512xi32, #tpu.memory_space<vmem>>, vector<16xi32>,
    %add3A_359 = arith.constant 40 : i32
    %add3A_360 = arith.addi %mul3A_2, %add3A_359 : i32
    %shift_right_arithmetic3A_361 = arith.constant 1 : i32
    %shift_right_arithmetic3A_362 = vector.broadcast %shift_right_arithmetic3A_361 : i32 to vector<16xi32>
    %shift_right_arithmetic3A_363 = arith.shrsi %iota3A, %shift_right_arithmetic3A_362 : vector<16xi32>
    %add3A_364 = vector.broadcast %add3A_360 : i32 to vector<16xi32>
    %add3A_365 = arith.addi %add3A_364, %shift_right_arithmetic3A_363 : vector<16xi32>
    %swap3A_366 = arith.constant 80 : index
    %swap3A_367 = tpu.vector_load %arg9[%swap3A_366] {strides = array<i32>} : memref<512xi32, #tpu.memory_space<vmem>>, vector<16xi32>,
    %swap3A_368 = vector.shape_cast %swap3A_367 : vector<16xi32> to vector<16xi32>
    %swap3A_369 = vector.shape_cast %add3A_365 : vector<16xi32> to vector<16xi32>
    tpu.vector_store %arg9[%swap3A_366], %swap3A_369 {strides = array<i32>} : memref<512xi32, #tpu.memory_space<vmem>>, vector<16xi32>,
    %add3A_370 = arith.constant 48 : i32
    %add3A_371 = arith.addi %mul3A_2, %add3A_370 : i32
    %shift_right_arithmetic3A_372 = arith.constant 1 : i32
    %shift_right_arithmetic3A_373 = vector.broadcast %shift_right_arithmetic3A_372 : i32 to vector<16xi32>
    %shift_right_arithmetic3A_374 = arith.shrsi %iota3A, %shift_right_arithmetic3A_373 : vector<16xi32>
    %add3A_375 = vector.broadcast %add3A_371 : i32 to vector<16xi32>
    %add3A_376 = arith.addi %add3A_375, %shift_right_arithmetic3A_374 : vector<16xi32>
    %swap3A_377 = arith.constant 96 : index
    %swap3A_378 = tpu.vector_load %arg9[%swap3A_377] {strides = array<i32>} : memref<512xi32, #tpu.memory_space<vmem>>, vector<16xi32>,
    %swap3A_379 = vector.shape_cast %swap3A_378 : vector<16xi32> to vector<16xi32>
    %swap3A_380 = vector.shape_cast %add3A_376 : vector<16xi32> to vector<16xi32>
    tpu.vector_store %arg9[%swap3A_377], %swap3A_380 {strides = array<i32>} : memref<512xi32, #tpu.memory_space<vmem>>, vector<16xi32>,
    %add3A_381 = arith.constant 56 : i32
    %add3A_382 = arith.addi %mul3A_2, %add3A_381 : i32
    %shift_right_arithmetic3A_383 = arith.constant 1 : i32
    %shift_right_arithmetic3A_384 = vector.broadcast %shift_right_arithmetic3A_383 : i32 to vector<16xi32>
    %shift_right_arithmetic3A_385 = arith.shrsi %iota3A, %shift_right_arithmetic3A_384 : vector<16xi32>
    %add3A_386 = vector.broadcast %add3A_382 : i32 to vector<16xi32>
    %add3A_387 = arith.addi %add3A_386, %shift_right_arithmetic3A_385 : vector<16xi32>
    %swap3A_388 = arith.constant 112 : index
    %swap3A_389 = tpu.vector_load %arg9[%swap3A_388] {strides = array<i32>} : memref<512xi32, #tpu.memory_space<vmem>>, vector<16xi32>,
    %swap3A_390 = vector.shape_cast %swap3A_389 : vector<16xi32> to vector<16xi32>
    %swap3A_391 = vector.shape_cast %add3A_387 : vector<16xi32> to vector<16xi32>
    tpu.vector_store %arg9[%swap3A_388], %swap3A_391 {strides = array<i32>} : memref<512xi32, #tpu.memory_space<vmem>>, vector<16xi32>,
    %add3A_392 = arith.constant 64 : i32
    %add3A_393 = arith.addi %mul3A_2, %add3A_392 : i32
    %shift_right_arithmetic3A_394 = arith.constant 1 : i32
    %shift_right_arithmetic3A_395 = vector.broadcast %shift_right_arithmetic3A_394 : i32 to vector<16xi32>
    %shift_right_arithmetic3A_396 = arith.shrsi %iota3A, %shift_right_arithmetic3A_395 : vector<16xi32>
    %add3A_397 = vector.broadcast %add3A_393 : i32 to vector<16xi32>
    %add3A_398 = arith.addi %add3A_397, %shift_right_arithmetic3A_396 : vector<16xi32>
    %swap3A_399 = arith.constant 128 : index
    %swap3A_400 = tpu.vector_load %arg9[%swap3A_399] {strides = array<i32>} : memref<512xi32, #tpu.memory_space<vmem>>, vector<16xi32>,
    %swap3A_401 = vector.shape_cast %swap3A_400 : vector<16xi32> to vector<16xi32>
    %swap3A_402 = vector.shape_cast %add3A_398 : vector<16xi32> to vector<16xi32>
    tpu.vector_store %arg9[%swap3A_399], %swap3A_402 {strides = array<i32>} : memref<512xi32, #tpu.memory_space<vmem>>, vector<16xi32>,
    %add3A_403 = arith.constant 72 : i32
    %add3A_404 = arith.addi %mul3A_2, %add3A_403 : i32
    %shift_right_arithmetic3A_405 = arith.constant 1 : i32
    %shift_right_arithmetic3A_406 = vector.broadcast %shift_right_arithmetic3A_405 : i32 to vector<16xi32>
    %shift_right_arithmetic3A_407 = arith.shrsi %iota3A, %shift_right_arithmetic3A_406 : vector<16xi32>
    %add3A_408 = vector.broadcast %add3A_404 : i32 to vector<16xi32>
    %add3A_409 = arith.addi %add3A_408, %shift_right_arithmetic3A_407 : vector<16xi32>
    %swap3A_410 = arith.constant 144 : index
    %swap3A_411 = tpu.vector_load %arg9[%swap3A_410] {strides = array<i32>} : memref<512xi32, #tpu.memory_space<vmem>>, vector<16xi32>,
    %swap3A_412 = vector.shape_cast %swap3A_411 : vector<16xi32> to vector<16xi32>
    %swap3A_413 = vector.shape_cast %add3A_409 : vector<16xi32> to vector<16xi32>
    tpu.vector_store %arg9[%swap3A_410], %swap3A_413 {strides = array<i32>} : memref<512xi32, #tpu.memory_space<vmem>>, vector<16xi32>,
    %add3A_414 = arith.constant 80 : i32
    %add3A_415 = arith.addi %mul3A_2, %add3A_414 : i32
    %shift_right_arithmetic3A_416 = arith.constant 1 : i32
    %shift_right_arithmetic3A_417 = vector.broadcast %shift_right_arithmetic3A_416 : i32 to vector<16xi32>
    %shift_right_arithmetic3A_418 = arith.shrsi %iota3A, %shift_right_arithmetic3A_417 : vector<16xi32>
    %add3A_419 = vector.broadcast %add3A_415 : i32 to vector<16xi32>
    %add3A_420 = arith.addi %add3A_419, %shift_right_arithmetic3A_418 : vector<16xi32>
    %swap3A_421 = arith.constant 160 : index
    %swap3A_422 = tpu.vector_load %arg9[%swap3A_421] {strides = array<i32>} : memref<512xi32, #tpu.memory_space<vmem>>, vector<16xi32>,
    %swap3A_423 = vector.shape_cast %swap3A_422 : vector<16xi32> to vector<16xi32>
    %swap3A_424 = vector.shape_cast %add3A_420 : vector<16xi32> to vector<16xi32>
    tpu.vector_store %arg9[%swap3A_421], %swap3A_424 {strides = array<i32>} : memref<512xi32, #tpu.memory_space<vmem>>, vector<16xi32>,
    %add3A_425 = arith.constant 88 : i32
    %add3A_426 = arith.addi %mul3A_2, %add3A_425 : i32
    %shift_right_arithmetic3A_427 = arith.constant 1 : i32
    %shift_right_arithmetic3A_428 = vector.broadcast %shift_right_arithmetic3A_427 : i32 to vector<16xi32>
    %shift_right_arithmetic3A_429 = arith.shrsi %iota3A, %shift_right_arithmetic3A_428 : vector<16xi32>
    %add3A_430 = vector.broadcast %add3A_426 : i32 to vector<16xi32>
    %add3A_431 = arith.addi %add3A_430, %shift_right_arithmetic3A_429 : vector<16xi32>
    %swap3A_432 = arith.constant 176 : index
    %swap3A_433 = tpu.vector_load %arg9[%swap3A_432] {strides = array<i32>} : memref<512xi32, #tpu.memory_space<vmem>>, vector<16xi32>,
    %swap3A_434 = vector.shape_cast %swap3A_433 : vector<16xi32> to vector<16xi32>
    %swap3A_435 = vector.shape_cast %add3A_431 : vector<16xi32> to vector<16xi32>
    tpu.vector_store %arg9[%swap3A_432], %swap3A_435 {strides = array<i32>} : memref<512xi32, #tpu.memory_space<vmem>>, vector<16xi32>,
    %add3A_436 = arith.constant 96 : i32
    %add3A_437 = arith.addi %mul3A_2, %add3A_436 : i32
    %shift_right_arithmetic3A_438 = arith.constant 1 : i32
    %shift_right_arithmetic3A_439 = vector.broadcast %shift_right_arithmetic3A_438 : i32 to vector<16xi32>
    %shift_right_arithmetic3A_440 = arith.shrsi %iota3A, %shift_right_arithmetic3A_439 : vector<16xi32>
    %add3A_441 = vector.broadcast %add3A_437 : i32 to vector<16xi32>
    %add3A_442 = arith.addi %add3A_441, %shift_right_arithmetic3A_440 : vector<16xi32>
    %swap3A_443 = arith.constant 192 : index
    %swap3A_444 = tpu.vector_load %arg9[%swap3A_443] {strides = array<i32>} : memref<512xi32, #tpu.memory_space<vmem>>, vector<16xi32>,
    %swap3A_445 = vector.shape_cast %swap3A_444 : vector<16xi32> to vector<16xi32>
    %swap3A_446 = vector.shape_cast %add3A_442 : vector<16xi32> to vector<16xi32>
    tpu.vector_store %arg9[%swap3A_443], %swap3A_446 {strides = array<i32>} : memref<512xi32, #tpu.memory_space<vmem>>, vector<16xi32>,
    %add3A_447 = arith.constant 104 : i32
    %add3A_448 = arith.addi %mul3A_2, %add3A_447 : i32
    %shift_right_arithmetic3A_449 = arith.constant 1 : i32
    %shift_right_arithmetic3A_450 = vector.broadcast %shift_right_arithmetic3A_449 : i32 to vector<16xi32>
    %shift_right_arithmetic3A_451 = arith.shrsi %iota3A, %shift_right_arithmetic3A_450 : vector<16xi32>
    %add3A_452 = vector.broadcast %add3A_448 : i32 to vector<16xi32>
    %add3A_453 = arith.addi %add3A_452, %shift_right_arithmetic3A_451 : vector<16xi32>
    %swap3A_454 = arith.constant 208 : index
    %swap3A_455 = tpu.vector_load %arg9[%swap3A_454] {strides = array<i32>} : memref<512xi32, #tpu.memory_space<vmem>>, vector<16xi32>,
    %swap3A_456 = vector.shape_cast %swap3A_455 : vector<16xi32> to vector<16xi32>
    %swap3A_457 = vector.shape_cast %add3A_453 : vector<16xi32> to vector<16xi32>
    tpu.vector_store %arg9[%swap3A_454], %swap3A_457 {strides = array<i32>} : memref<512xi32, #tpu.memory_space<vmem>>, vector<16xi32>,
    %add3A_458 = arith.constant 112 : i32
    %add3A_459 = arith.addi %mul3A_2, %add3A_458 : i32
    %shift_right_arithmetic3A_460 = arith.constant 1 : i32
    %shift_right_arithmetic3A_461 = vector.broadcast %shift_right_arithmetic3A_460 : i32 to vector<16xi32>
    %shift_right_arithmetic3A_462 = arith.shrsi %iota3A, %shift_right_arithmetic3A_461 : vector<16xi32>
    %add3A_463 = vector.broadcast %add3A_459 : i32 to vector<16xi32>
    %add3A_464 = arith.addi %add3A_463, %shift_right_arithmetic3A_462 : vector<16xi32>
    %swap3A_465 = arith.constant 224 : index
    %swap3A_466 = tpu.vector_load %arg9[%swap3A_465] {strides = array<i32>} : memref<512xi32, #tpu.memory_space<vmem>>, vector<16xi32>,
    %swap3A_467 = vector.shape_cast %swap3A_466 : vector<16xi32> to vector<16xi32>
    %swap3A_468 = vector.shape_cast %add3A_464 : vector<16xi32> to vector<16xi32>
    tpu.vector_store %arg9[%swap3A_465], %swap3A_468 {strides = array<i32>} : memref<512xi32, #tpu.memory_space<vmem>>, vector<16xi32>,
    %add3A_469 = arith.constant 120 : i32
    %add3A_470 = arith.addi %mul3A_2, %add3A_469 : i32
    %shift_right_arithmetic3A_471 = arith.constant 1 : i32
    %shift_right_arithmetic3A_472 = vector.broadcast %shift_right_arithmetic3A_471 : i32 to vector<16xi32>
    %shift_right_arithmetic3A_473 = arith.shrsi %iota3A, %shift_right_arithmetic3A_472 : vector<16xi32>
    %add3A_474 = vector.broadcast %add3A_470 : i32 to vector<16xi32>
    %add3A_475 = arith.addi %add3A_474, %shift_right_arithmetic3A_473 : vector<16xi32>
    %swap3A_476 = arith.constant 240 : index
    %swap3A_477 = tpu.vector_load %arg9[%swap3A_476] {strides = array<i32>} : memref<512xi32, #tpu.memory_space<vmem>>, vector<16xi32>,
    %swap3A_478 = vector.shape_cast %swap3A_477 : vector<16xi32> to vector<16xi32>
    %swap3A_479 = vector.shape_cast %add3A_475 : vector<16xi32> to vector<16xi32>
    tpu.vector_store %arg9[%swap3A_476], %swap3A_479 {strides = array<i32>} : memref<512xi32, #tpu.memory_space<vmem>>, vector<16xi32>,
    %add3A_480 = arith.constant 128 : i32
    %add3A_481 = arith.addi %mul3A_2, %add3A_480 : i32
    %shift_right_arithmetic3A_482 = arith.constant 1 : i32
    %shift_right_arithmetic3A_483 = vector.broadcast %shift_right_arithmetic3A_482 : i32 to vector<16xi32>
    %shift_right_arithmetic3A_484 = arith.shrsi %iota3A, %shift_right_arithmetic3A_483 : vector<16xi32>
    %add3A_485 = vector.broadcast %add3A_481 : i32 to vector<16xi32>
    %add3A_486 = arith.addi %add3A_485, %shift_right_arithmetic3A_484 : vector<16xi32>
    %swap3A_487 = arith.constant 256 : index
    %swap3A_488 = tpu.vector_load %arg9[%swap3A_487] {strides = array<i32>} : memref<512xi32, #tpu.memory_space<vmem>>, vector<16xi32>,
    %swap3A_489 = vector.shape_cast %swap3A_488 : vector<16xi32> to vector<16xi32>
    %swap3A_490 = vector.shape_cast %add3A_486 : vector<16xi32> to vector<16xi32>
    tpu.vector_store %arg9[%swap3A_487], %swap3A_490 {strides = array<i32>} : memref<512xi32, #tpu.memory_space<vmem>>, vector<16xi32>,
    %add3A_491 = arith.constant 136 : i32
    %add3A_492 = arith.addi %mul3A_2, %add3A_491 : i32
    %shift_right_arithmetic3A_493 = arith.constant 1 : i32
    %shift_right_arithmetic3A_494 = vector.broadcast %shift_right_arithmetic3A_493 : i32 to vector<16xi32>
    %shift_right_arithmetic3A_495 = arith.shrsi %iota3A, %shift_right_arithmetic3A_494 : vector<16xi32>
    %add3A_496 = vector.broadcast %add3A_492 : i32 to vector<16xi32>
    %add3A_497 = arith.addi %add3A_496, %shift_right_arithmetic3A_495 : vector<16xi32>
    %swap3A_498 = arith.constant 272 : index
    %swap3A_499 = tpu.vector_load %arg9[%swap3A_498] {strides = array<i32>} : memref<512xi32, #tpu.memory_space<vmem>>, vector<16xi32>,
    %swap3A_500 = vector.shape_cast %swap3A_499 : vector<16xi32> to vector<16xi32>
    %swap3A_501 = vector.shape_cast %add3A_497 : vector<16xi32> to vector<16xi32>
    tpu.vector_store %arg9[%swap3A_498], %swap3A_501 {strides = array<i32>} : memref<512xi32, #tpu.memory_space<vmem>>, vector<16xi32>,
    %add3A_502 = arith.constant 144 : i32
    %add3A_503 = arith.addi %mul3A_2, %add3A_502 : i32
    %shift_right_arithmetic3A_504 = arith.constant 1 : i32
    %shift_right_arithmetic3A_505 = vector.broadcast %shift_right_arithmetic3A_504 : i32 to vector<16xi32>
    %shift_right_arithmetic3A_506 = arith.shrsi %iota3A, %shift_right_arithmetic3A_505 : vector<16xi32>
    %add3A_507 = vector.broadcast %add3A_503 : i32 to vector<16xi32>
    %add3A_508 = arith.addi %add3A_507, %shift_right_arithmetic3A_506 : vector<16xi32>
    %swap3A_509 = arith.constant 288 : index
    %swap3A_510 = tpu.vector_load %arg9[%swap3A_509] {strides = array<i32>} : memref<512xi32, #tpu.memory_space<vmem>>, vector<16xi32>,
    %swap3A_511 = vector.shape_cast %swap3A_510 : vector<16xi32> to vector<16xi32>
    %swap3A_512 = vector.shape_cast %add3A_508 : vector<16xi32> to vector<16xi32>
    tpu.vector_store %arg9[%swap3A_509], %swap3A_512 {strides = array<i32>} : memref<512xi32, #tpu.memory_space<vmem>>, vector<16xi32>,
    %add3A_513 = arith.constant 152 : i32
    %add3A_514 = arith.addi %mul3A_2, %add3A_513 : i32
    %shift_right_arithmetic3A_515 = arith.constant 1 : i32
    %shift_right_arithmetic3A_516 = vector.broadcast %shift_right_arithmetic3A_515 : i32 to vector<16xi32>
    %shift_right_arithmetic3A_517 = arith.shrsi %iota3A, %shift_right_arithmetic3A_516 : vector<16xi32>
    %add3A_518 = vector.broadcast %add3A_514 : i32 to vector<16xi32>
    %add3A_519 = arith.addi %add3A_518, %shift_right_arithmetic3A_517 : vector<16xi32>
    %swap3A_520 = arith.constant 304 : index
    %swap3A_521 = tpu.vector_load %arg9[%swap3A_520] {strides = array<i32>} : memref<512xi32, #tpu.memory_space<vmem>>, vector<16xi32>,
    %swap3A_522 = vector.shape_cast %swap3A_521 : vector<16xi32> to vector<16xi32>
    %swap3A_523 = vector.shape_cast %add3A_519 : vector<16xi32> to vector<16xi32>
    tpu.vector_store %arg9[%swap3A_520], %swap3A_523 {strides = array<i32>} : memref<512xi32, #tpu.memory_space<vmem>>, vector<16xi32>,
    %add3A_524 = arith.constant 160 : i32
    %add3A_525 = arith.addi %mul3A_2, %add3A_524 : i32
    %shift_right_arithmetic3A_526 = arith.constant 1 : i32
    %shift_right_arithmetic3A_527 = vector.broadcast %shift_right_arithmetic3A_526 : i32 to vector<16xi32>
    %shift_right_arithmetic3A_528 = arith.shrsi %iota3A, %shift_right_arithmetic3A_527 : vector<16xi32>
    %add3A_529 = vector.broadcast %add3A_525 : i32 to vector<16xi32>
    %add3A_530 = arith.addi %add3A_529, %shift_right_arithmetic3A_528 : vector<16xi32>
    %swap3A_531 = arith.constant 320 : index
    %swap3A_532 = tpu.vector_load %arg9[%swap3A_531] {strides = array<i32>} : memref<512xi32, #tpu.memory_space<vmem>>, vector<16xi32>,
    %swap3A_533 = vector.shape_cast %swap3A_532 : vector<16xi32> to vector<16xi32>
    %swap3A_534 = vector.shape_cast %add3A_530 : vector<16xi32> to vector<16xi32>
    tpu.vector_store %arg9[%swap3A_531], %swap3A_534 {strides = array<i32>} : memref<512xi32, #tpu.memory_space<vmem>>, vector<16xi32>,
    %add3A_535 = arith.constant 168 : i32
    %add3A_536 = arith.addi %mul3A_2, %add3A_535 : i32
    %shift_right_arithmetic3A_537 = arith.constant 1 : i32
    %shift_right_arithmetic3A_538 = vector.broadcast %shift_right_arithmetic3A_537 : i32 to vector<16xi32>
    %shift_right_arithmetic3A_539 = arith.shrsi %iota3A, %shift_right_arithmetic3A_538 : vector<16xi32>
    %add3A_540 = vector.broadcast %add3A_536 : i32 to vector<16xi32>
    %add3A_541 = arith.addi %add3A_540, %shift_right_arithmetic3A_539 : vector<16xi32>
    %swap3A_542 = arith.constant 336 : index
    %swap3A_543 = tpu.vector_load %arg9[%swap3A_542] {strides = array<i32>} : memref<512xi32, #tpu.memory_space<vmem>>, vector<16xi32>,
    %swap3A_544 = vector.shape_cast %swap3A_543 : vector<16xi32> to vector<16xi32>
    %swap3A_545 = vector.shape_cast %add3A_541 : vector<16xi32> to vector<16xi32>
    tpu.vector_store %arg9[%swap3A_542], %swap3A_545 {strides = array<i32>} : memref<512xi32, #tpu.memory_space<vmem>>, vector<16xi32>,
    %add3A_546 = arith.constant 176 : i32
    %add3A_547 = arith.addi %mul3A_2, %add3A_546 : i32
    %shift_right_arithmetic3A_548 = arith.constant 1 : i32
    %shift_right_arithmetic3A_549 = vector.broadcast %shift_right_arithmetic3A_548 : i32 to vector<16xi32>
    %shift_right_arithmetic3A_550 = arith.shrsi %iota3A, %shift_right_arithmetic3A_549 : vector<16xi32>
    %add3A_551 = vector.broadcast %add3A_547 : i32 to vector<16xi32>
    %add3A_552 = arith.addi %add3A_551, %shift_right_arithmetic3A_550 : vector<16xi32>
    %swap3A_553 = arith.constant 352 : index
    %swap3A_554 = tpu.vector_load %arg9[%swap3A_553] {strides = array<i32>} : memref<512xi32, #tpu.memory_space<vmem>>, vector<16xi32>,
    %swap3A_555 = vector.shape_cast %swap3A_554 : vector<16xi32> to vector<16xi32>
    %swap3A_556 = vector.shape_cast %add3A_552 : vector<16xi32> to vector<16xi32>
    tpu.vector_store %arg9[%swap3A_553], %swap3A_556 {strides = array<i32>} : memref<512xi32, #tpu.memory_space<vmem>>, vector<16xi32>,
    %add3A_557 = arith.constant 184 : i32
    %add3A_558 = arith.addi %mul3A_2, %add3A_557 : i32
    %shift_right_arithmetic3A_559 = arith.constant 1 : i32
    %shift_right_arithmetic3A_560 = vector.broadcast %shift_right_arithmetic3A_559 : i32 to vector<16xi32>
    %shift_right_arithmetic3A_561 = arith.shrsi %iota3A, %shift_right_arithmetic3A_560 : vector<16xi32>
    %add3A_562 = vector.broadcast %add3A_558 : i32 to vector<16xi32>
    %add3A_563 = arith.addi %add3A_562, %shift_right_arithmetic3A_561 : vector<16xi32>
    %swap3A_564 = arith.constant 368 : index
    %swap3A_565 = tpu.vector_load %arg9[%swap3A_564] {strides = array<i32>} : memref<512xi32, #tpu.memory_space<vmem>>, vector<16xi32>,
    %swap3A_566 = vector.shape_cast %swap3A_565 : vector<16xi32> to vector<16xi32>
    %swap3A_567 = vector.shape_cast %add3A_563 : vector<16xi32> to vector<16xi32>
    tpu.vector_store %arg9[%swap3A_564], %swap3A_567 {strides = array<i32>} : memref<512xi32, #tpu.memory_space<vmem>>, vector<16xi32>,
    %add3A_568 = arith.constant 192 : i32
    %add3A_569 = arith.addi %mul3A_2, %add3A_568 : i32
    %shift_right_arithmetic3A_570 = arith.constant 1 : i32
    %shift_right_arithmetic3A_571 = vector.broadcast %shift_right_arithmetic3A_570 : i32 to vector<16xi32>
    %shift_right_arithmetic3A_572 = arith.shrsi %iota3A, %shift_right_arithmetic3A_571 : vector<16xi32>
    %add3A_573 = vector.broadcast %add3A_569 : i32 to vector<16xi32>
    %add3A_574 = arith.addi %add3A_573, %shift_right_arithmetic3A_572 : vector<16xi32>
    %swap3A_575 = arith.constant 384 : index
    %swap3A_576 = tpu.vector_load %arg9[%swap3A_575] {strides = array<i32>} : memref<512xi32, #tpu.memory_space<vmem>>, vector<16xi32>,
    %swap3A_577 = vector.shape_cast %swap3A_576 : vector<16xi32> to vector<16xi32>
    %swap3A_578 = vector.shape_cast %add3A_574 : vector<16xi32> to vector<16xi32>
    tpu.vector_store %arg9[%swap3A_575], %swap3A_578 {strides = array<i32>} : memref<512xi32, #tpu.memory_space<vmem>>, vector<16xi32>,
    %add3A_579 = arith.constant 200 : i32
    %add3A_580 = arith.addi %mul3A_2, %add3A_579 : i32
    %shift_right_arithmetic3A_581 = arith.constant 1 : i32
    %shift_right_arithmetic3A_582 = vector.broadcast %shift_right_arithmetic3A_581 : i32 to vector<16xi32>
    %shift_right_arithmetic3A_583 = arith.shrsi %iota3A, %shift_right_arithmetic3A_582 : vector<16xi32>
    %add3A_584 = vector.broadcast %add3A_580 : i32 to vector<16xi32>
    %add3A_585 = arith.addi %add3A_584, %shift_right_arithmetic3A_583 : vector<16xi32>
    %swap3A_586 = arith.constant 400 : index
    %swap3A_587 = tpu.vector_load %arg9[%swap3A_586] {strides = array<i32>} : memref<512xi32, #tpu.memory_space<vmem>>, vector<16xi32>,
    %swap3A_588 = vector.shape_cast %swap3A_587 : vector<16xi32> to vector<16xi32>
    %swap3A_589 = vector.shape_cast %add3A_585 : vector<16xi32> to vector<16xi32>
    tpu.vector_store %arg9[%swap3A_586], %swap3A_589 {strides = array<i32>} : memref<512xi32, #tpu.memory_space<vmem>>, vector<16xi32>,
    %add3A_590 = arith.constant 208 : i32
    %add3A_591 = arith.addi %mul3A_2, %add3A_590 : i32
    %shift_right_arithmetic3A_592 = arith.constant 1 : i32
    %shift_right_arithmetic3A_593 = vector.broadcast %shift_right_arithmetic3A_592 : i32 to vector<16xi32>
    %shift_right_arithmetic3A_594 = arith.shrsi %iota3A, %shift_right_arithmetic3A_593 : vector<16xi32>
    %add3A_595 = vector.broadcast %add3A_591 : i32 to vector<16xi32>
    %add3A_596 = arith.addi %add3A_595, %shift_right_arithmetic3A_594 : vector<16xi32>
    %swap3A_597 = arith.constant 416 : index
    %swap3A_598 = tpu.vector_load %arg9[%swap3A_597] {strides = array<i32>} : memref<512xi32, #tpu.memory_space<vmem>>, vector<16xi32>,
    %swap3A_599 = vector.shape_cast %swap3A_598 : vector<16xi32> to vector<16xi32>
    %swap3A_600 = vector.shape_cast %add3A_596 : vector<16xi32> to vector<16xi32>
    tpu.vector_store %arg9[%swap3A_597], %swap3A_600 {strides = array<i32>} : memref<512xi32, #tpu.memory_space<vmem>>, vector<16xi32>,
    %add3A_601 = arith.constant 216 : i32
    %add3A_602 = arith.addi %mul3A_2, %add3A_601 : i32
    %shift_right_arithmetic3A_603 = arith.constant 1 : i32
    %shift_right_arithmetic3A_604 = vector.broadcast %shift_right_arithmetic3A_603 : i32 to vector<16xi32>
    %shift_right_arithmetic3A_605 = arith.shrsi %iota3A, %shift_right_arithmetic3A_604 : vector<16xi32>
    %add3A_606 = vector.broadcast %add3A_602 : i32 to vector<16xi32>
    %add3A_607 = arith.addi %add3A_606, %shift_right_arithmetic3A_605 : vector<16xi32>
    %swap3A_608 = arith.constant 432 : index
    %swap3A_609 = tpu.vector_load %arg9[%swap3A_608] {strides = array<i32>} : memref<512xi32, #tpu.memory_space<vmem>>, vector<16xi32>,
    %swap3A_610 = vector.shape_cast %swap3A_609 : vector<16xi32> to vector<16xi32>
    %swap3A_611 = vector.shape_cast %add3A_607 : vector<16xi32> to vector<16xi32>
    tpu.vector_store %arg9[%swap3A_608], %swap3A_611 {strides = array<i32>} : memref<512xi32, #tpu.memory_space<vmem>>, vector<16xi32>,
    %add3A_612 = arith.constant 224 : i32
    %add3A_613 = arith.addi %mul3A_2, %add3A_612 : i32
    %shift_right_arithmetic3A_614 = arith.constant 1 : i32
    %shift_right_arithmetic3A_615 = vector.broadcast %shift_right_arithmetic3A_614 : i32 to vector<16xi32>
    %shift_right_arithmetic3A_616 = arith.shrsi %iota3A, %shift_right_arithmetic3A_615 : vector<16xi32>
    %add3A_617 = vector.broadcast %add3A_613 : i32 to vector<16xi32>
    %add3A_618 = arith.addi %add3A_617, %shift_right_arithmetic3A_616 : vector<16xi32>
    %swap3A_619 = arith.constant 448 : index
    %swap3A_620 = tpu.vector_load %arg9[%swap3A_619] {strides = array<i32>} : memref<512xi32, #tpu.memory_space<vmem>>, vector<16xi32>,
    %swap3A_621 = vector.shape_cast %swap3A_620 : vector<16xi32> to vector<16xi32>
    %swap3A_622 = vector.shape_cast %add3A_618 : vector<16xi32> to vector<16xi32>
    tpu.vector_store %arg9[%swap3A_619], %swap3A_622 {strides = array<i32>} : memref<512xi32, #tpu.memory_space<vmem>>, vector<16xi32>,
    %add3A_623 = arith.constant 232 : i32
    %add3A_624 = arith.addi %mul3A_2, %add3A_623 : i32
    %shift_right_arithmetic3A_625 = arith.constant 1 : i32
    %shift_right_arithmetic3A_626 = vector.broadcast %shift_right_arithmetic3A_625 : i32 to vector<16xi32>
    %shift_right_arithmetic3A_627 = arith.shrsi %iota3A, %shift_right_arithmetic3A_626 : vector<16xi32>
    %add3A_628 = vector.broadcast %add3A_624 : i32 to vector<16xi32>
    %add3A_629 = arith.addi %add3A_628, %shift_right_arithmetic3A_627 : vector<16xi32>
    %swap3A_630 = arith.constant 464 : index
    %swap3A_631 = tpu.vector_load %arg9[%swap3A_630] {strides = array<i32>} : memref<512xi32, #tpu.memory_space<vmem>>, vector<16xi32>,
    %swap3A_632 = vector.shape_cast %swap3A_631 : vector<16xi32> to vector<16xi32>
    %swap3A_633 = vector.shape_cast %add3A_629 : vector<16xi32> to vector<16xi32>
    tpu.vector_store %arg9[%swap3A_630], %swap3A_633 {strides = array<i32>} : memref<512xi32, #tpu.memory_space<vmem>>, vector<16xi32>,
    %add3A_634 = arith.constant 240 : i32
    %add3A_635 = arith.addi %mul3A_2, %add3A_634 : i32
    %shift_right_arithmetic3A_636 = arith.constant 1 : i32
    %shift_right_arithmetic3A_637 = vector.broadcast %shift_right_arithmetic3A_636 : i32 to vector<16xi32>
    %shift_right_arithmetic3A_638 = arith.shrsi %iota3A, %shift_right_arithmetic3A_637 : vector<16xi32>
    %add3A_639 = vector.broadcast %add3A_635 : i32 to vector<16xi32>
    %add3A_640 = arith.addi %add3A_639, %shift_right_arithmetic3A_638 : vector<16xi32>
    %swap3A_641 = arith.constant 480 : index
    %swap3A_642 = tpu.vector_load %arg9[%swap3A_641] {strides = array<i32>} : memref<512xi32, #tpu.memory_space<vmem>>, vector<16xi32>,
    %swap3A_643 = vector.shape_cast %swap3A_642 : vector<16xi32> to vector<16xi32>
    %swap3A_644 = vector.shape_cast %add3A_640 : vector<16xi32> to vector<16xi32>
    tpu.vector_store %arg9[%swap3A_641], %swap3A_644 {strides = array<i32>} : memref<512xi32, #tpu.memory_space<vmem>>, vector<16xi32>,
    %add3A_645 = arith.constant 248 : i32
    %add3A_646 = arith.addi %mul3A_2, %add3A_645 : i32
    %shift_right_arithmetic3A_647 = arith.constant 1 : i32
    %shift_right_arithmetic3A_648 = vector.broadcast %shift_right_arithmetic3A_647 : i32 to vector<16xi32>
    %shift_right_arithmetic3A_649 = arith.shrsi %iota3A, %shift_right_arithmetic3A_648 : vector<16xi32>
    %add3A_650 = vector.broadcast %add3A_646 : i32 to vector<16xi32>
    %add3A_651 = arith.addi %add3A_650, %shift_right_arithmetic3A_649 : vector<16xi32>
    %swap3A_652 = arith.constant 496 : index
    %swap3A_653 = tpu.vector_load %arg9[%swap3A_652] {strides = array<i32>} : memref<512xi32, #tpu.memory_space<vmem>>, vector<16xi32>,
    %swap3A_654 = vector.shape_cast %swap3A_653 : vector<16xi32> to vector<16xi32>
    %swap3A_655 = vector.shape_cast %add3A_651 : vector<16xi32> to vector<16xi32>
    tpu.vector_store %arg9[%swap3A_652], %swap3A_655 {strides = array<i32>} : memref<512xi32, #tpu.memory_space<vmem>>, vector<16xi32>,
    %dma_start3A = arith.constant 0 : i32
    %dma_start3A_656 = tpu.memref_slice %arg10[%dma_start3A] : memref<256xf32, #tpu.memory_space<vmem>> -> memref<128xf32, #tpu.memory_space<vmem>>
    %dma_start3A_657 = arith.constant 0 : i32
    %dma_start3A_658 = tpu.memref_slice %arg2[%dma_start3A_657] : memref<1048576xf32, #tpu.memory_space<hbm>> -> memref<1048576xf32, #tpu.memory_space<hbm>>
    tpu.enqueue_indirect_dma source(%dma_start3A_658 : memref<1048576xf32, #tpu.memory_space<hbm>>) target(%dma_start3A_656 : memref<128xf32, #tpu.memory_space<vmem>>) offsets(%arg7 : memref<128xi32, #tpu.memory_space<vmem>>) semaphore(%arg12 : memref<!tpu.dma_semaphore, #tpu.memory_space<semaphore_mem>>)
    %dma_start3A_659 = arith.constant 128 : i32
    %dma_start3A_660 = tpu.memref_slice %arg10[%dma_start3A_659] : memref<256xf32, #tpu.memory_space<vmem>> -> memref<128xf32, #tpu.memory_space<vmem>>
    %dma_start3A_661 = arith.constant 0 : i32
    %dma_start3A_662 = tpu.memref_slice %arg2[%dma_start3A_661] : memref<1048576xf32, #tpu.memory_space<hbm>> -> memref<1048576xf32, #tpu.memory_space<hbm>>
    tpu.enqueue_indirect_dma source(%dma_start3A_662 : memref<1048576xf32, #tpu.memory_space<hbm>>) target(%dma_start3A_660 : memref<128xf32, #tpu.memory_space<vmem>>) offsets(%arg8 : memref<128xi32, #tpu.memory_space<vmem>>) semaphore(%arg12 : memref<!tpu.dma_semaphore, #tpu.memory_space<semaphore_mem>>)
    %dma_start3A_663 = arith.constant 0 : i32
    %dma_start3A_664 = tpu.memref_slice %arg11[%dma_start3A_663] : memref<512xi32, #tpu.memory_space<vmem>> -> memref<128xi32, #tpu.memory_space<vmem>>
    %dma_start3A_665 = arith.constant 0 : i32
    %dma_start3A_666 = tpu.memref_slice %arg9[%dma_start3A_665] : memref<512xi32, #tpu.memory_space<vmem>> -> memref<128xi32, #tpu.memory_space<vmem>>
    %dma_start3A_667 = arith.constant 0 : i32
    %dma_start3A_668 = tpu.memref_slice %arg3[%dma_start3A_667] : memref<8192xi32, #tpu.memory_space<hbm>> -> memref<8192xi32, #tpu.memory_space<hbm>>
    tpu.enqueue_indirect_dma source(%dma_start3A_668 : memref<8192xi32, #tpu.memory_space<hbm>>) target(%dma_start3A_664 : memref<128xi32, #tpu.memory_space<vmem>>) offsets(%dma_start3A_666 : memref<128xi32, #tpu.memory_space<vmem>>) semaphore(%arg12 : memref<!tpu.dma_semaphore, #tpu.memory_space<semaphore_mem>>)
    %dma_start3A_669 = arith.constant 128 : i32
    %dma_start3A_670 = tpu.memref_slice %arg11[%dma_start3A_669] : memref<512xi32, #tpu.memory_space<vmem>> -> memref<128xi32, #tpu.memory_space<vmem>>
    %dma_start3A_671 = arith.constant 128 : i32
    %dma_start3A_672 = tpu.memref_slice %arg9[%dma_start3A_671] : memref<512xi32, #tpu.memory_space<vmem>> -> memref<128xi32, #tpu.memory_space<vmem>>
    %dma_start3A_673 = arith.constant 0 : i32
    %dma_start3A_674 = tpu.memref_slice %arg3[%dma_start3A_673] : memref<8192xi32, #tpu.memory_space<hbm>> -> memref<8192xi32, #tpu.memory_space<hbm>>
    tpu.enqueue_indirect_dma source(%dma_start3A_674 : memref<8192xi32, #tpu.memory_space<hbm>>) target(%dma_start3A_670 : memref<128xi32, #tpu.memory_space<vmem>>) offsets(%dma_start3A_672 : memref<128xi32, #tpu.memory_space<vmem>>) semaphore(%arg12 : memref<!tpu.dma_semaphore, #tpu.memory_space<semaphore_mem>>)
    %dma_start3A_675 = arith.constant 256 : i32
    %dma_start3A_676 = tpu.memref_slice %arg11[%dma_start3A_675] : memref<512xi32, #tpu.memory_space<vmem>> -> memref<128xi32, #tpu.memory_space<vmem>>
    %dma_start3A_677 = arith.constant 256 : i32
    %dma_start3A_678 = tpu.memref_slice %arg9[%dma_start3A_677] : memref<512xi32, #tpu.memory_space<vmem>> -> memref<128xi32, #tpu.memory_space<vmem>>
    %dma_start3A_679 = arith.constant 0 : i32
    %dma_start3A_680 = tpu.memref_slice %arg3[%dma_start3A_679] : memref<8192xi32, #tpu.memory_space<hbm>> -> memref<8192xi32, #tpu.memory_space<hbm>>
    tpu.enqueue_indirect_dma source(%dma_start3A_680 : memref<8192xi32, #tpu.memory_space<hbm>>) target(%dma_start3A_676 : memref<128xi32, #tpu.memory_space<vmem>>) offsets(%dma_start3A_678 : memref<128xi32, #tpu.memory_space<vmem>>) semaphore(%arg12 : memref<!tpu.dma_semaphore, #tpu.memory_space<semaphore_mem>>)
    %dma_start3A_681 = arith.constant 384 : i32
    %dma_start3A_682 = tpu.memref_slice %arg11[%dma_start3A_681] : memref<512xi32, #tpu.memory_space<vmem>> -> memref<128xi32, #tpu.memory_space<vmem>>
    %dma_start3A_683 = arith.constant 384 : i32
    %dma_start3A_684 = tpu.memref_slice %arg9[%dma_start3A_683] : memref<512xi32, #tpu.memory_space<vmem>> -> memref<128xi32, #tpu.memory_space<vmem>>
    %dma_start3A_685 = arith.constant 0 : i32
    %dma_start3A_686 = tpu.memref_slice %arg3[%dma_start3A_685] : memref<8192xi32, #tpu.memory_space<hbm>> -> memref<8192xi32, #tpu.memory_space<hbm>>
    tpu.enqueue_indirect_dma source(%dma_start3A_686 : memref<8192xi32, #tpu.memory_space<hbm>>) target(%dma_start3A_682 : memref<128xi32, #tpu.memory_space<vmem>>) offsets(%dma_start3A_684 : memref<128xi32, #tpu.memory_space<vmem>>) semaphore(%arg12 : memref<!tpu.dma_semaphore, #tpu.memory_space<semaphore_mem>>)
    %dma_wait3A = arith.constant 0 : i32
    %dma_wait3A_687 = tpu.memref_slice %arg10[%dma_wait3A] : memref<256xf32, #tpu.memory_space<vmem>> -> memref<128xf32, #tpu.memory_space<vmem>>
    %dma_wait3A_688 = arith.constant 0 : i32
    %dma_wait3A_689 = tpu.memref_slice %arg2[%dma_wait3A_688] : memref<1048576xf32, #tpu.memory_space<hbm>> -> memref<1048576xf32, #tpu.memory_space<hbm>>
    tpu.wait_indirect_dma semaphore(%arg12 : memref<!tpu.dma_semaphore, #tpu.memory_space<semaphore_mem>>) src(%dma_wait3A_689 : memref<1048576xf32, #tpu.memory_space<hbm>>) dst(%dma_wait3A_687 : memref<128xf32, #tpu.memory_space<vmem>>)
    %dma_wait3A_690 = arith.constant 128 : i32
    %dma_wait3A_691 = tpu.memref_slice %arg10[%dma_wait3A_690] : memref<256xf32, #tpu.memory_space<vmem>> -> memref<128xf32, #tpu.memory_space<vmem>>
    %dma_wait3A_692 = arith.constant 0 : i32
    %dma_wait3A_693 = tpu.memref_slice %arg2[%dma_wait3A_692] : memref<1048576xf32, #tpu.memory_space<hbm>> -> memref<1048576xf32, #tpu.memory_space<hbm>>
    tpu.wait_indirect_dma semaphore(%arg12 : memref<!tpu.dma_semaphore, #tpu.memory_space<semaphore_mem>>) src(%dma_wait3A_693 : memref<1048576xf32, #tpu.memory_space<hbm>>) dst(%dma_wait3A_691 : memref<128xf32, #tpu.memory_space<vmem>>)
    %dma_wait3A_694 = arith.constant 0 : i32
    %dma_wait3A_695 = tpu.memref_slice %arg11[%dma_wait3A_694] : memref<512xi32, #tpu.memory_space<vmem>> -> memref<128xi32, #tpu.memory_space<vmem>>
    %dma_wait3A_696 = arith.constant 0 : i32
    %dma_wait3A_697 = tpu.memref_slice %arg9[%dma_wait3A_696] : memref<512xi32, #tpu.memory_space<vmem>> -> memref<128xi32, #tpu.memory_space<vmem>>
    %dma_wait3A_698 = arith.constant 0 : i32
    %dma_wait3A_699 = tpu.memref_slice %arg3[%dma_wait3A_698] : memref<8192xi32, #tpu.memory_space<hbm>> -> memref<8192xi32, #tpu.memory_space<hbm>>
    tpu.wait_indirect_dma semaphore(%arg12 : memref<!tpu.dma_semaphore, #tpu.memory_space<semaphore_mem>>) src(%dma_wait3A_699 : memref<8192xi32, #tpu.memory_space<hbm>>) dst(%dma_wait3A_695 : memref<128xi32, #tpu.memory_space<vmem>>)
    %dma_wait3A_700 = arith.constant 128 : i32
    %dma_wait3A_701 = tpu.memref_slice %arg11[%dma_wait3A_700] : memref<512xi32, #tpu.memory_space<vmem>> -> memref<128xi32, #tpu.memory_space<vmem>>
    %dma_wait3A_702 = arith.constant 128 : i32
    %dma_wait3A_703 = tpu.memref_slice %arg9[%dma_wait3A_702] : memref<512xi32, #tpu.memory_space<vmem>> -> memref<128xi32, #tpu.memory_space<vmem>>
    %dma_wait3A_704 = arith.constant 0 : i32
    %dma_wait3A_705 = tpu.memref_slice %arg3[%dma_wait3A_704] : memref<8192xi32, #tpu.memory_space<hbm>> -> memref<8192xi32, #tpu.memory_space<hbm>>
    tpu.wait_indirect_dma semaphore(%arg12 : memref<!tpu.dma_semaphore, #tpu.memory_space<semaphore_mem>>) src(%dma_wait3A_705 : memref<8192xi32, #tpu.memory_space<hbm>>) dst(%dma_wait3A_701 : memref<128xi32, #tpu.memory_space<vmem>>)
    %dma_wait3A_706 = arith.constant 256 : i32
    %dma_wait3A_707 = tpu.memref_slice %arg11[%dma_wait3A_706] : memref<512xi32, #tpu.memory_space<vmem>> -> memref<128xi32, #tpu.memory_space<vmem>>
    %dma_wait3A_708 = arith.constant 256 : i32
    %dma_wait3A_709 = tpu.memref_slice %arg9[%dma_wait3A_708] : memref<512xi32, #tpu.memory_space<vmem>> -> memref<128xi32, #tpu.memory_space<vmem>>
    %dma_wait3A_710 = arith.constant 0 : i32
    %dma_wait3A_711 = tpu.memref_slice %arg3[%dma_wait3A_710] : memref<8192xi32, #tpu.memory_space<hbm>> -> memref<8192xi32, #tpu.memory_space<hbm>>
    tpu.wait_indirect_dma semaphore(%arg12 : memref<!tpu.dma_semaphore, #tpu.memory_space<semaphore_mem>>) src(%dma_wait3A_711 : memref<8192xi32, #tpu.memory_space<hbm>>) dst(%dma_wait3A_707 : memref<128xi32, #tpu.memory_space<vmem>>)
    %dma_wait3A_712 = arith.constant 384 : i32
    %dma_wait3A_713 = tpu.memref_slice %arg11[%dma_wait3A_712] : memref<512xi32, #tpu.memory_space<vmem>> -> memref<128xi32, #tpu.memory_space<vmem>>
    %dma_wait3A_714 = arith.constant 384 : i32
    %dma_wait3A_715 = tpu.memref_slice %arg9[%dma_wait3A_714] : memref<512xi32, #tpu.memory_space<vmem>> -> memref<128xi32, #tpu.memory_space<vmem>>
    %dma_wait3A_716 = arith.constant 0 : i32
    %dma_wait3A_717 = tpu.memref_slice %arg3[%dma_wait3A_716] : memref<8192xi32, #tpu.memory_space<hbm>> -> memref<8192xi32, #tpu.memory_space<hbm>>
    tpu.wait_indirect_dma semaphore(%arg12 : memref<!tpu.dma_semaphore, #tpu.memory_space<semaphore_mem>>) src(%dma_wait3A_717 : memref<8192xi32, #tpu.memory_space<hbm>>) dst(%dma_wait3A_713 : memref<128xi32, #tpu.memory_space<vmem>>)
    %and3A = arith.constant 1 : i32
    %and3A_718 = vector.broadcast %and3A : i32 to vector<16xi32>
    %and3A_719 = arith.andi %iota3A, %and3A_718 : vector<16xi32>
    %eq3A = arith.constant 0 : i32
    %eq3A_720 = vector.broadcast %eq3A : i32 to vector<16xi32>
    %eq3A_721 = arith.cmpi eq, %and3A_719, %eq3A_720 : vector<16xi32>
    %get3A_722 = arith.constant 0 : index
    %get3A_723 = tpu.vector_load %arg10[%get3A_722] {strides = array<i32>} : memref<256xf32, #tpu.memory_space<vmem>>, vector<16xf32>,
    %get3A_724 = vector.shape_cast %get3A_723 : vector<16xf32> to vector<16xf32>
    %neg3A = arith.constant 0.000000e+00 : f32
    %neg3A_725 = vector.broadcast %neg3A : f32 to vector<16xf32>
    %neg3A_726 = arith.subf %neg3A_725, %get3A_724 : vector<16xf32>
    %swap3A_727 = arith.constant 0 : index
    %swap3A_728 = tpu.vector_load %arg10[%swap3A_727] {strides = array<i32>} : memref<256xf32, #tpu.memory_space<vmem>>, vector<16xf32>,
    %swap3A_729 = vector.shape_cast %swap3A_728 : vector<16xf32> to vector<16xf32>
    %swap3A_730 = vector.shape_cast %neg3A_726 : vector<16xf32> to vector<16xf32>
    tpu.vector_store %arg10[%swap3A_727], %swap3A_730 {strides = array<i32>} : memref<256xf32, #tpu.memory_space<vmem>>, vector<16xf32>,
    %get3A_731 = arith.constant 16 : index
    %get3A_732 = tpu.vector_load %arg10[%get3A_731] {strides = array<i32>} : memref<256xf32, #tpu.memory_space<vmem>>, vector<16xf32>,
    %get3A_733 = vector.shape_cast %get3A_732 : vector<16xf32> to vector<16xf32>
    %neg3A_734 = arith.constant 0.000000e+00 : f32
    %neg3A_735 = vector.broadcast %neg3A_734 : f32 to vector<16xf32>
    %neg3A_736 = arith.subf %neg3A_735, %get3A_733 : vector<16xf32>
    %swap3A_737 = arith.constant 16 : index
    %swap3A_738 = tpu.vector_load %arg10[%swap3A_737] {strides = array<i32>} : memref<256xf32, #tpu.memory_space<vmem>>, vector<16xf32>,
    %swap3A_739 = vector.shape_cast %swap3A_738 : vector<16xf32> to vector<16xf32>
    %swap3A_740 = vector.shape_cast %neg3A_736 : vector<16xf32> to vector<16xf32>
    tpu.vector_store %arg10[%swap3A_737], %swap3A_740 {strides = array<i32>} : memref<256xf32, #tpu.memory_space<vmem>>, vector<16xf32>,
    %get3A_741 = arith.constant 32 : index
    %get3A_742 = tpu.vector_load %arg10[%get3A_741] {strides = array<i32>} : memref<256xf32, #tpu.memory_space<vmem>>, vector<16xf32>,
    %get3A_743 = vector.shape_cast %get3A_742 : vector<16xf32> to vector<16xf32>
    %neg3A_744 = arith.constant 0.000000e+00 : f32
    %neg3A_745 = vector.broadcast %neg3A_744 : f32 to vector<16xf32>
    %neg3A_746 = arith.subf %neg3A_745, %get3A_743 : vector<16xf32>
    %swap3A_747 = arith.constant 32 : index
    %swap3A_748 = tpu.vector_load %arg10[%swap3A_747] {strides = array<i32>} : memref<256xf32, #tpu.memory_space<vmem>>, vector<16xf32>,
    %swap3A_749 = vector.shape_cast %swap3A_748 : vector<16xf32> to vector<16xf32>
    %swap3A_750 = vector.shape_cast %neg3A_746 : vector<16xf32> to vector<16xf32>
    tpu.vector_store %arg10[%swap3A_747], %swap3A_750 {strides = array<i32>} : memref<256xf32, #tpu.memory_space<vmem>>, vector<16xf32>,
    %get3A_751 = arith.constant 48 : index
    %get3A_752 = tpu.vector_load %arg10[%get3A_751] {strides = array<i32>} : memref<256xf32, #tpu.memory_space<vmem>>, vector<16xf32>,
    %get3A_753 = vector.shape_cast %get3A_752 : vector<16xf32> to vector<16xf32>
    %neg3A_754 = arith.constant 0.000000e+00 : f32
    %neg3A_755 = vector.broadcast %neg3A_754 : f32 to vector<16xf32>
    %neg3A_756 = arith.subf %neg3A_755, %get3A_753 : vector<16xf32>
    %swap3A_757 = arith.constant 48 : index
    %swap3A_758 = tpu.vector_load %arg10[%swap3A_757] {strides = array<i32>} : memref<256xf32, #tpu.memory_space<vmem>>, vector<16xf32>,
    %swap3A_759 = vector.shape_cast %swap3A_758 : vector<16xf32> to vector<16xf32>
    %swap3A_760 = vector.shape_cast %neg3A_756 : vector<16xf32> to vector<16xf32>
    tpu.vector_store %arg10[%swap3A_757], %swap3A_760 {strides = array<i32>} : memref<256xf32, #tpu.memory_space<vmem>>, vector<16xf32>,
    %get3A_761 = arith.constant 64 : index
    %get3A_762 = tpu.vector_load %arg10[%get3A_761] {strides = array<i32>} : memref<256xf32, #tpu.memory_space<vmem>>, vector<16xf32>,
    %get3A_763 = vector.shape_cast %get3A_762 : vector<16xf32> to vector<16xf32>
    %neg3A_764 = arith.constant 0.000000e+00 : f32
    %neg3A_765 = vector.broadcast %neg3A_764 : f32 to vector<16xf32>
    %neg3A_766 = arith.subf %neg3A_765, %get3A_763 : vector<16xf32>
    %swap3A_767 = arith.constant 64 : index
    %swap3A_768 = tpu.vector_load %arg10[%swap3A_767] {strides = array<i32>} : memref<256xf32, #tpu.memory_space<vmem>>, vector<16xf32>,
    %swap3A_769 = vector.shape_cast %swap3A_768 : vector<16xf32> to vector<16xf32>
    %swap3A_770 = vector.shape_cast %neg3A_766 : vector<16xf32> to vector<16xf32>
    tpu.vector_store %arg10[%swap3A_767], %swap3A_770 {strides = array<i32>} : memref<256xf32, #tpu.memory_space<vmem>>, vector<16xf32>,
    %get3A_771 = arith.constant 80 : index
    %get3A_772 = tpu.vector_load %arg10[%get3A_771] {strides = array<i32>} : memref<256xf32, #tpu.memory_space<vmem>>, vector<16xf32>,
    %get3A_773 = vector.shape_cast %get3A_772 : vector<16xf32> to vector<16xf32>
    %neg3A_774 = arith.constant 0.000000e+00 : f32
    %neg3A_775 = vector.broadcast %neg3A_774 : f32 to vector<16xf32>
    %neg3A_776 = arith.subf %neg3A_775, %get3A_773 : vector<16xf32>
    %swap3A_777 = arith.constant 80 : index
    %swap3A_778 = tpu.vector_load %arg10[%swap3A_777] {strides = array<i32>} : memref<256xf32, #tpu.memory_space<vmem>>, vector<16xf32>,
    %swap3A_779 = vector.shape_cast %swap3A_778 : vector<16xf32> to vector<16xf32>
    %swap3A_780 = vector.shape_cast %neg3A_776 : vector<16xf32> to vector<16xf32>
    tpu.vector_store %arg10[%swap3A_777], %swap3A_780 {strides = array<i32>} : memref<256xf32, #tpu.memory_space<vmem>>, vector<16xf32>,
    %get3A_781 = arith.constant 96 : index
    %get3A_782 = tpu.vector_load %arg10[%get3A_781] {strides = array<i32>} : memref<256xf32, #tpu.memory_space<vmem>>, vector<16xf32>,
    %get3A_783 = vector.shape_cast %get3A_782 : vector<16xf32> to vector<16xf32>
    %neg3A_784 = arith.constant 0.000000e+00 : f32
    %neg3A_785 = vector.broadcast %neg3A_784 : f32 to vector<16xf32>
    %neg3A_786 = arith.subf %neg3A_785, %get3A_783 : vector<16xf32>
    %swap3A_787 = arith.constant 96 : index
    %swap3A_788 = tpu.vector_load %arg10[%swap3A_787] {strides = array<i32>} : memref<256xf32, #tpu.memory_space<vmem>>, vector<16xf32>,
    %swap3A_789 = vector.shape_cast %swap3A_788 : vector<16xf32> to vector<16xf32>
    %swap3A_790 = vector.shape_cast %neg3A_786 : vector<16xf32> to vector<16xf32>
    tpu.vector_store %arg10[%swap3A_787], %swap3A_790 {strides = array<i32>} : memref<256xf32, #tpu.memory_space<vmem>>, vector<16xf32>,
    %get3A_791 = arith.constant 112 : index
    %get3A_792 = tpu.vector_load %arg10[%get3A_791] {strides = array<i32>} : memref<256xf32, #tpu.memory_space<vmem>>, vector<16xf32>,
    %get3A_793 = vector.shape_cast %get3A_792 : vector<16xf32> to vector<16xf32>
    %neg3A_794 = arith.constant 0.000000e+00 : f32
    %neg3A_795 = vector.broadcast %neg3A_794 : f32 to vector<16xf32>
    %neg3A_796 = arith.subf %neg3A_795, %get3A_793 : vector<16xf32>
    %swap3A_797 = arith.constant 112 : index
    %swap3A_798 = tpu.vector_load %arg10[%swap3A_797] {strides = array<i32>} : memref<256xf32, #tpu.memory_space<vmem>>, vector<16xf32>,
    %swap3A_799 = vector.shape_cast %swap3A_798 : vector<16xf32> to vector<16xf32>
    %swap3A_800 = vector.shape_cast %neg3A_796 : vector<16xf32> to vector<16xf32>
    tpu.vector_store %arg10[%swap3A_797], %swap3A_800 {strides = array<i32>} : memref<256xf32, #tpu.memory_space<vmem>>, vector<16xf32>,
    %get3A_801 = arith.constant 128 : index
    %get3A_802 = tpu.vector_load %arg10[%get3A_801] {strides = array<i32>} : memref<256xf32, #tpu.memory_space<vmem>>, vector<16xf32>,
    %get3A_803 = vector.shape_cast %get3A_802 : vector<16xf32> to vector<16xf32>
    %neg3A_804 = arith.constant 0.000000e+00 : f32
    %neg3A_805 = vector.broadcast %neg3A_804 : f32 to vector<16xf32>
    %neg3A_806 = arith.subf %neg3A_805, %get3A_803 : vector<16xf32>
    %swap3A_807 = arith.constant 128 : index
    %swap3A_808 = tpu.vector_load %arg10[%swap3A_807] {strides = array<i32>} : memref<256xf32, #tpu.memory_space<vmem>>, vector<16xf32>,
    %swap3A_809 = vector.shape_cast %swap3A_808 : vector<16xf32> to vector<16xf32>
    %swap3A_810 = vector.shape_cast %neg3A_806 : vector<16xf32> to vector<16xf32>
    tpu.vector_store %arg10[%swap3A_807], %swap3A_810 {strides = array<i32>} : memref<256xf32, #tpu.memory_space<vmem>>, vector<16xf32>,
    %get3A_811 = arith.constant 144 : index
    %get3A_812 = tpu.vector_load %arg10[%get3A_811] {strides = array<i32>} : memref<256xf32, #tpu.memory_space<vmem>>, vector<16xf32>,
    %get3A_813 = vector.shape_cast %get3A_812 : vector<16xf32> to vector<16xf32>
    %neg3A_814 = arith.constant 0.000000e+00 : f32
    %neg3A_815 = vector.broadcast %neg3A_814 : f32 to vector<16xf32>
    %neg3A_816 = arith.subf %neg3A_815, %get3A_813 : vector<16xf32>
    %swap3A_817 = arith.constant 144 : index
    %swap3A_818 = tpu.vector_load %arg10[%swap3A_817] {strides = array<i32>} : memref<256xf32, #tpu.memory_space<vmem>>, vector<16xf32>,
    %swap3A_819 = vector.shape_cast %swap3A_818 : vector<16xf32> to vector<16xf32>
    %swap3A_820 = vector.shape_cast %neg3A_816 : vector<16xf32> to vector<16xf32>
    tpu.vector_store %arg10[%swap3A_817], %swap3A_820 {strides = array<i32>} : memref<256xf32, #tpu.memory_space<vmem>>, vector<16xf32>,
    %get3A_821 = arith.constant 160 : index
    %get3A_822 = tpu.vector_load %arg10[%get3A_821] {strides = array<i32>} : memref<256xf32, #tpu.memory_space<vmem>>, vector<16xf32>,
    %get3A_823 = vector.shape_cast %get3A_822 : vector<16xf32> to vector<16xf32>
    %neg3A_824 = arith.constant 0.000000e+00 : f32
    %neg3A_825 = vector.broadcast %neg3A_824 : f32 to vector<16xf32>
    %neg3A_826 = arith.subf %neg3A_825, %get3A_823 : vector<16xf32>
    %swap3A_827 = arith.constant 160 : index
    %swap3A_828 = tpu.vector_load %arg10[%swap3A_827] {strides = array<i32>} : memref<256xf32, #tpu.memory_space<vmem>>, vector<16xf32>,
    %swap3A_829 = vector.shape_cast %swap3A_828 : vector<16xf32> to vector<16xf32>
    %swap3A_830 = vector.shape_cast %neg3A_826 : vector<16xf32> to vector<16xf32>
    tpu.vector_store %arg10[%swap3A_827], %swap3A_830 {strides = array<i32>} : memref<256xf32, #tpu.memory_space<vmem>>, vector<16xf32>,
    %get3A_831 = arith.constant 176 : index
    %get3A_832 = tpu.vector_load %arg10[%get3A_831] {strides = array<i32>} : memref<256xf32, #tpu.memory_space<vmem>>, vector<16xf32>,
    %get3A_833 = vector.shape_cast %get3A_832 : vector<16xf32> to vector<16xf32>
    %neg3A_834 = arith.constant 0.000000e+00 : f32
    %neg3A_835 = vector.broadcast %neg3A_834 : f32 to vector<16xf32>
    %neg3A_836 = arith.subf %neg3A_835, %get3A_833 : vector<16xf32>
    %swap3A_837 = arith.constant 176 : index
    %swap3A_838 = tpu.vector_load %arg10[%swap3A_837] {strides = array<i32>} : memref<256xf32, #tpu.memory_space<vmem>>, vector<16xf32>,
    %swap3A_839 = vector.shape_cast %swap3A_838 : vector<16xf32> to vector<16xf32>
    %swap3A_840 = vector.shape_cast %neg3A_836 : vector<16xf32> to vector<16xf32>
    tpu.vector_store %arg10[%swap3A_837], %swap3A_840 {strides = array<i32>} : memref<256xf32, #tpu.memory_space<vmem>>, vector<16xf32>,
    %get3A_841 = arith.constant 192 : index
    %get3A_842 = tpu.vector_load %arg10[%get3A_841] {strides = array<i32>} : memref<256xf32, #tpu.memory_space<vmem>>, vector<16xf32>,
    %get3A_843 = vector.shape_cast %get3A_842 : vector<16xf32> to vector<16xf32>
    %neg3A_844 = arith.constant 0.000000e+00 : f32
    %neg3A_845 = vector.broadcast %neg3A_844 : f32 to vector<16xf32>
    %neg3A_846 = arith.subf %neg3A_845, %get3A_843 : vector<16xf32>
    %swap3A_847 = arith.constant 192 : index
    %swap3A_848 = tpu.vector_load %arg10[%swap3A_847] {strides = array<i32>} : memref<256xf32, #tpu.memory_space<vmem>>, vector<16xf32>,
    %swap3A_849 = vector.shape_cast %swap3A_848 : vector<16xf32> to vector<16xf32>
    %swap3A_850 = vector.shape_cast %neg3A_846 : vector<16xf32> to vector<16xf32>
    tpu.vector_store %arg10[%swap3A_847], %swap3A_850 {strides = array<i32>} : memref<256xf32, #tpu.memory_space<vmem>>, vector<16xf32>,
    %get3A_851 = arith.constant 208 : index
    %get3A_852 = tpu.vector_load %arg10[%get3A_851] {strides = array<i32>} : memref<256xf32, #tpu.memory_space<vmem>>, vector<16xf32>,
    %get3A_853 = vector.shape_cast %get3A_852 : vector<16xf32> to vector<16xf32>
    %neg3A_854 = arith.constant 0.000000e+00 : f32
    %neg3A_855 = vector.broadcast %neg3A_854 : f32 to vector<16xf32>
    %neg3A_856 = arith.subf %neg3A_855, %get3A_853 : vector<16xf32>
    %swap3A_857 = arith.constant 208 : index
    %swap3A_858 = tpu.vector_load %arg10[%swap3A_857] {strides = array<i32>} : memref<256xf32, #tpu.memory_space<vmem>>, vector<16xf32>,
    %swap3A_859 = vector.shape_cast %swap3A_858 : vector<16xf32> to vector<16xf32>
    %swap3A_860 = vector.shape_cast %neg3A_856 : vector<16xf32> to vector<16xf32>
    tpu.vector_store %arg10[%swap3A_857], %swap3A_860 {strides = array<i32>} : memref<256xf32, #tpu.memory_space<vmem>>, vector<16xf32>,
    %get3A_861 = arith.constant 224 : index
    %get3A_862 = tpu.vector_load %arg10[%get3A_861] {strides = array<i32>} : memref<256xf32, #tpu.memory_space<vmem>>, vector<16xf32>,
    %get3A_863 = vector.shape_cast %get3A_862 : vector<16xf32> to vector<16xf32>
    %neg3A_864 = arith.constant 0.000000e+00 : f32
    %neg3A_865 = vector.broadcast %neg3A_864 : f32 to vector<16xf32>
    %neg3A_866 = arith.subf %neg3A_865, %get3A_863 : vector<16xf32>
    %swap3A_867 = arith.constant 224 : index
    %swap3A_868 = tpu.vector_load %arg10[%swap3A_867] {strides = array<i32>} : memref<256xf32, #tpu.memory_space<vmem>>, vector<16xf32>,
    %swap3A_869 = vector.shape_cast %swap3A_868 : vector<16xf32> to vector<16xf32>
    %swap3A_870 = vector.shape_cast %neg3A_866 : vector<16xf32> to vector<16xf32>
    tpu.vector_store %arg10[%swap3A_867], %swap3A_870 {strides = array<i32>} : memref<256xf32, #tpu.memory_space<vmem>>, vector<16xf32>,
    %get3A_871 = arith.constant 240 : index
    %get3A_872 = tpu.vector_load %arg10[%get3A_871] {strides = array<i32>} : memref<256xf32, #tpu.memory_space<vmem>>, vector<16xf32>,
    %get3A_873 = vector.shape_cast %get3A_872 : vector<16xf32> to vector<16xf32>
    %neg3A_874 = arith.constant 0.000000e+00 : f32
    %neg3A_875 = vector.broadcast %neg3A_874 : f32 to vector<16xf32>
    %neg3A_876 = arith.subf %neg3A_875, %get3A_873 : vector<16xf32>
    %swap3A_877 = arith.constant 240 : index
    %swap3A_878 = tpu.vector_load %arg10[%swap3A_877] {strides = array<i32>} : memref<256xf32, #tpu.memory_space<vmem>>, vector<16xf32>,
    %swap3A_879 = vector.shape_cast %swap3A_878 : vector<16xf32> to vector<16xf32>
    %swap3A_880 = vector.shape_cast %neg3A_876 : vector<16xf32> to vector<16xf32>
    tpu.vector_store %arg10[%swap3A_877], %swap3A_880 {strides = array<i32>} : memref<256xf32, #tpu.memory_space<vmem>>, vector<16xf32>,
    %get3A_881 = arith.constant 0 : index
    %get3A_882 = tpu.vector_load %arg9[%get3A_881] {strides = array<i32>} : memref<512xi32, #tpu.memory_space<vmem>>, vector<16xi32>,
    %get3A_883 = vector.shape_cast %get3A_882 : vector<16xi32> to vector<16xi32>
    %get3A_884 = arith.constant 0 : index
    %get3A_885 = tpu.vector_load %arg11[%get3A_884] {strides = array<i32>} : memref<512xi32, #tpu.memory_space<vmem>>, vector<16xi32>,
    %get3A_886 = vector.shape_cast %get3A_885 : vector<16xi32> to vector<16xi32>
    %shift_right_arithmetic3A_887 = arith.constant 3 : i32
    %shift_right_arithmetic3A_888 = vector.broadcast %shift_right_arithmetic3A_887 : i32 to vector<16xi32>
    %shift_right_arithmetic3A_889 = arith.shrsi %get3A_883, %shift_right_arithmetic3A_888 : vector<16xi32>
    %select_n3A = arith.select %eq3A_721, %get3A_886, %shift_right_arithmetic3A_889 : vector<16xi1>, vector<16xi32>
    %swap3A_890 = arith.constant 0 : index
    %swap3A_891 = tpu.vector_load %arg11[%swap3A_890] {strides = array<i32>} : memref<512xi32, #tpu.memory_space<vmem>>, vector<16xi32>,
    %swap3A_892 = vector.shape_cast %swap3A_891 : vector<16xi32> to vector<16xi32>
    %swap3A_893 = vector.shape_cast %select_n3A : vector<16xi32> to vector<16xi32>
    tpu.vector_store %arg11[%swap3A_890], %swap3A_893 {strides = array<i32>} : memref<512xi32, #tpu.memory_space<vmem>>, vector<16xi32>,
    %get3A_894 = arith.constant 16 : index
    %get3A_895 = tpu.vector_load %arg9[%get3A_894] {strides = array<i32>} : memref<512xi32, #tpu.memory_space<vmem>>, vector<16xi32>,
    %get3A_896 = vector.shape_cast %get3A_895 : vector<16xi32> to vector<16xi32>
    %get3A_897 = arith.constant 16 : index
    %get3A_898 = tpu.vector_load %arg11[%get3A_897] {strides = array<i32>} : memref<512xi32, #tpu.memory_space<vmem>>, vector<16xi32>,
    %get3A_899 = vector.shape_cast %get3A_898 : vector<16xi32> to vector<16xi32>
    %shift_right_arithmetic3A_900 = arith.constant 3 : i32
    %shift_right_arithmetic3A_901 = vector.broadcast %shift_right_arithmetic3A_900 : i32 to vector<16xi32>
    %shift_right_arithmetic3A_902 = arith.shrsi %get3A_896, %shift_right_arithmetic3A_901 : vector<16xi32>
    %select_n3A_903 = arith.select %eq3A_721, %get3A_899, %shift_right_arithmetic3A_902 : vector<16xi1>, vector<16xi32>
    %swap3A_904 = arith.constant 16 : index
    %swap3A_905 = tpu.vector_load %arg11[%swap3A_904] {strides = array<i32>} : memref<512xi32, #tpu.memory_space<vmem>>, vector<16xi32>,
    %swap3A_906 = vector.shape_cast %swap3A_905 : vector<16xi32> to vector<16xi32>
    %swap3A_907 = vector.shape_cast %select_n3A_903 : vector<16xi32> to vector<16xi32>
    tpu.vector_store %arg11[%swap3A_904], %swap3A_907 {strides = array<i32>} : memref<512xi32, #tpu.memory_space<vmem>>, vector<16xi32>,
    %get3A_908 = arith.constant 32 : index
    %get3A_909 = tpu.vector_load %arg9[%get3A_908] {strides = array<i32>} : memref<512xi32, #tpu.memory_space<vmem>>, vector<16xi32>,
    %get3A_910 = vector.shape_cast %get3A_909 : vector<16xi32> to vector<16xi32>
    %get3A_911 = arith.constant 32 : index
    %get3A_912 = tpu.vector_load %arg11[%get3A_911] {strides = array<i32>} : memref<512xi32, #tpu.memory_space<vmem>>, vector<16xi32>,
    %get3A_913 = vector.shape_cast %get3A_912 : vector<16xi32> to vector<16xi32>
    %shift_right_arithmetic3A_914 = arith.constant 3 : i32
    %shift_right_arithmetic3A_915 = vector.broadcast %shift_right_arithmetic3A_914 : i32 to vector<16xi32>
    %shift_right_arithmetic3A_916 = arith.shrsi %get3A_910, %shift_right_arithmetic3A_915 : vector<16xi32>
    %select_n3A_917 = arith.select %eq3A_721, %get3A_913, %shift_right_arithmetic3A_916 : vector<16xi1>, vector<16xi32>
    %swap3A_918 = arith.constant 32 : index
    %swap3A_919 = tpu.vector_load %arg11[%swap3A_918] {strides = array<i32>} : memref<512xi32, #tpu.memory_space<vmem>>, vector<16xi32>,
    %swap3A_920 = vector.shape_cast %swap3A_919 : vector<16xi32> to vector<16xi32>
    %swap3A_921 = vector.shape_cast %select_n3A_917 : vector<16xi32> to vector<16xi32>
    tpu.vector_store %arg11[%swap3A_918], %swap3A_921 {strides = array<i32>} : memref<512xi32, #tpu.memory_space<vmem>>, vector<16xi32>,
    %get3A_922 = arith.constant 48 : index
    %get3A_923 = tpu.vector_load %arg9[%get3A_922] {strides = array<i32>} : memref<512xi32, #tpu.memory_space<vmem>>, vector<16xi32>,
    %get3A_924 = vector.shape_cast %get3A_923 : vector<16xi32> to vector<16xi32>
    %get3A_925 = arith.constant 48 : index
    %get3A_926 = tpu.vector_load %arg11[%get3A_925] {strides = array<i32>} : memref<512xi32, #tpu.memory_space<vmem>>, vector<16xi32>,
    %get3A_927 = vector.shape_cast %get3A_926 : vector<16xi32> to vector<16xi32>
    %shift_right_arithmetic3A_928 = arith.constant 3 : i32
    %shift_right_arithmetic3A_929 = vector.broadcast %shift_right_arithmetic3A_928 : i32 to vector<16xi32>
    %shift_right_arithmetic3A_930 = arith.shrsi %get3A_924, %shift_right_arithmetic3A_929 : vector<16xi32>
    %select_n3A_931 = arith.select %eq3A_721, %get3A_927, %shift_right_arithmetic3A_930 : vector<16xi1>, vector<16xi32>
    %swap3A_932 = arith.constant 48 : index
    %swap3A_933 = tpu.vector_load %arg11[%swap3A_932] {strides = array<i32>} : memref<512xi32, #tpu.memory_space<vmem>>, vector<16xi32>,
    %swap3A_934 = vector.shape_cast %swap3A_933 : vector<16xi32> to vector<16xi32>
    %swap3A_935 = vector.shape_cast %select_n3A_931 : vector<16xi32> to vector<16xi32>
    tpu.vector_store %arg11[%swap3A_932], %swap3A_935 {strides = array<i32>} : memref<512xi32, #tpu.memory_space<vmem>>, vector<16xi32>,
    %get3A_936 = arith.constant 64 : index
    %get3A_937 = tpu.vector_load %arg9[%get3A_936] {strides = array<i32>} : memref<512xi32, #tpu.memory_space<vmem>>, vector<16xi32>,
    %get3A_938 = vector.shape_cast %get3A_937 : vector<16xi32> to vector<16xi32>
    %get3A_939 = arith.constant 64 : index
    %get3A_940 = tpu.vector_load %arg11[%get3A_939] {strides = array<i32>} : memref<512xi32, #tpu.memory_space<vmem>>, vector<16xi32>,
    %get3A_941 = vector.shape_cast %get3A_940 : vector<16xi32> to vector<16xi32>
    %shift_right_arithmetic3A_942 = arith.constant 3 : i32
    %shift_right_arithmetic3A_943 = vector.broadcast %shift_right_arithmetic3A_942 : i32 to vector<16xi32>
    %shift_right_arithmetic3A_944 = arith.shrsi %get3A_938, %shift_right_arithmetic3A_943 : vector<16xi32>
    %select_n3A_945 = arith.select %eq3A_721, %get3A_941, %shift_right_arithmetic3A_944 : vector<16xi1>, vector<16xi32>
    %swap3A_946 = arith.constant 64 : index
    %swap3A_947 = tpu.vector_load %arg11[%swap3A_946] {strides = array<i32>} : memref<512xi32, #tpu.memory_space<vmem>>, vector<16xi32>,
    %swap3A_948 = vector.shape_cast %swap3A_947 : vector<16xi32> to vector<16xi32>
    %swap3A_949 = vector.shape_cast %select_n3A_945 : vector<16xi32> to vector<16xi32>
    tpu.vector_store %arg11[%swap3A_946], %swap3A_949 {strides = array<i32>} : memref<512xi32, #tpu.memory_space<vmem>>, vector<16xi32>,
    %get3A_950 = arith.constant 80 : index
    %get3A_951 = tpu.vector_load %arg9[%get3A_950] {strides = array<i32>} : memref<512xi32, #tpu.memory_space<vmem>>, vector<16xi32>,
    %get3A_952 = vector.shape_cast %get3A_951 : vector<16xi32> to vector<16xi32>
    %get3A_953 = arith.constant 80 : index
    %get3A_954 = tpu.vector_load %arg11[%get3A_953] {strides = array<i32>} : memref<512xi32, #tpu.memory_space<vmem>>, vector<16xi32>,
    %get3A_955 = vector.shape_cast %get3A_954 : vector<16xi32> to vector<16xi32>
    %shift_right_arithmetic3A_956 = arith.constant 3 : i32
    %shift_right_arithmetic3A_957 = vector.broadcast %shift_right_arithmetic3A_956 : i32 to vector<16xi32>
    %shift_right_arithmetic3A_958 = arith.shrsi %get3A_952, %shift_right_arithmetic3A_957 : vector<16xi32>
    %select_n3A_959 = arith.select %eq3A_721, %get3A_955, %shift_right_arithmetic3A_958 : vector<16xi1>, vector<16xi32>
    %swap3A_960 = arith.constant 80 : index
    %swap3A_961 = tpu.vector_load %arg11[%swap3A_960] {strides = array<i32>} : memref<512xi32, #tpu.memory_space<vmem>>, vector<16xi32>,
    %swap3A_962 = vector.shape_cast %swap3A_961 : vector<16xi32> to vector<16xi32>
    %swap3A_963 = vector.shape_cast %select_n3A_959 : vector<16xi32> to vector<16xi32>
    tpu.vector_store %arg11[%swap3A_960], %swap3A_963 {strides = array<i32>} : memref<512xi32, #tpu.memory_space<vmem>>, vector<16xi32>,
    %get3A_964 = arith.constant 96 : index
    %get3A_965 = tpu.vector_load %arg9[%get3A_964] {strides = array<i32>} : memref<512xi32, #tpu.memory_space<vmem>>, vector<16xi32>,
    %get3A_966 = vector.shape_cast %get3A_965 : vector<16xi32> to vector<16xi32>
    %get3A_967 = arith.constant 96 : index
    %get3A_968 = tpu.vector_load %arg11[%get3A_967] {strides = array<i32>} : memref<512xi32, #tpu.memory_space<vmem>>, vector<16xi32>,
    %get3A_969 = vector.shape_cast %get3A_968 : vector<16xi32> to vector<16xi32>
    %shift_right_arithmetic3A_970 = arith.constant 3 : i32
    %shift_right_arithmetic3A_971 = vector.broadcast %shift_right_arithmetic3A_970 : i32 to vector<16xi32>
    %shift_right_arithmetic3A_972 = arith.shrsi %get3A_966, %shift_right_arithmetic3A_971 : vector<16xi32>
    %select_n3A_973 = arith.select %eq3A_721, %get3A_969, %shift_right_arithmetic3A_972 : vector<16xi1>, vector<16xi32>
    %swap3A_974 = arith.constant 96 : index
    %swap3A_975 = tpu.vector_load %arg11[%swap3A_974] {strides = array<i32>} : memref<512xi32, #tpu.memory_space<vmem>>, vector<16xi32>,
    %swap3A_976 = vector.shape_cast %swap3A_975 : vector<16xi32> to vector<16xi32>
    %swap3A_977 = vector.shape_cast %select_n3A_973 : vector<16xi32> to vector<16xi32>
    tpu.vector_store %arg11[%swap3A_974], %swap3A_977 {strides = array<i32>} : memref<512xi32, #tpu.memory_space<vmem>>, vector<16xi32>,
    %get3A_978 = arith.constant 112 : index
    %get3A_979 = tpu.vector_load %arg9[%get3A_978] {strides = array<i32>} : memref<512xi32, #tpu.memory_space<vmem>>, vector<16xi32>,
    %get3A_980 = vector.shape_cast %get3A_979 : vector<16xi32> to vector<16xi32>
    %get3A_981 = arith.constant 112 : index
    %get3A_982 = tpu.vector_load %arg11[%get3A_981] {strides = array<i32>} : memref<512xi32, #tpu.memory_space<vmem>>, vector<16xi32>,
    %get3A_983 = vector.shape_cast %get3A_982 : vector<16xi32> to vector<16xi32>
    %shift_right_arithmetic3A_984 = arith.constant 3 : i32
    %shift_right_arithmetic3A_985 = vector.broadcast %shift_right_arithmetic3A_984 : i32 to vector<16xi32>
    %shift_right_arithmetic3A_986 = arith.shrsi %get3A_980, %shift_right_arithmetic3A_985 : vector<16xi32>
    %select_n3A_987 = arith.select %eq3A_721, %get3A_983, %shift_right_arithmetic3A_986 : vector<16xi1>, vector<16xi32>
    %swap3A_988 = arith.constant 112 : index
    %swap3A_989 = tpu.vector_load %arg11[%swap3A_988] {strides = array<i32>} : memref<512xi32, #tpu.memory_space<vmem>>, vector<16xi32>,
    %swap3A_990 = vector.shape_cast %swap3A_989 : vector<16xi32> to vector<16xi32>
    %swap3A_991 = vector.shape_cast %select_n3A_987 : vector<16xi32> to vector<16xi32>
    tpu.vector_store %arg11[%swap3A_988], %swap3A_991 {strides = array<i32>} : memref<512xi32, #tpu.memory_space<vmem>>, vector<16xi32>,
    %get3A_992 = arith.constant 128 : index
    %get3A_993 = tpu.vector_load %arg9[%get3A_992] {strides = array<i32>} : memref<512xi32, #tpu.memory_space<vmem>>, vector<16xi32>,
    %get3A_994 = vector.shape_cast %get3A_993 : vector<16xi32> to vector<16xi32>
    %get3A_995 = arith.constant 128 : index
    %get3A_996 = tpu.vector_load %arg11[%get3A_995] {strides = array<i32>} : memref<512xi32, #tpu.memory_space<vmem>>, vector<16xi32>,
    %get3A_997 = vector.shape_cast %get3A_996 : vector<16xi32> to vector<16xi32>
    %shift_right_arithmetic3A_998 = arith.constant 3 : i32
    %shift_right_arithmetic3A_999 = vector.broadcast %shift_right_arithmetic3A_998 : i32 to vector<16xi32>
    %shift_right_arithmetic3A_1000 = arith.shrsi %get3A_994, %shift_right_arithmetic3A_999 : vector<16xi32>
    %select_n3A_1001 = arith.select %eq3A_721, %get3A_997, %shift_right_arithmetic3A_1000 : vector<16xi1>, vector<16xi32>
    %swap3A_1002 = arith.constant 128 : index
    %swap3A_1003 = tpu.vector_load %arg11[%swap3A_1002] {strides = array<i32>} : memref<512xi32, #tpu.memory_space<vmem>>, vector<16xi32>,
    %swap3A_1004 = vector.shape_cast %swap3A_1003 : vector<16xi32> to vector<16xi32>
    %swap3A_1005 = vector.shape_cast %select_n3A_1001 : vector<16xi32> to vector<16xi32>
    tpu.vector_store %arg11[%swap3A_1002], %swap3A_1005 {strides = array<i32>} : memref<512xi32, #tpu.memory_space<vmem>>, vector<16xi32>,
    %get3A_1006 = arith.constant 144 : index
    %get3A_1007 = tpu.vector_load %arg9[%get3A_1006] {strides = array<i32>} : memref<512xi32, #tpu.memory_space<vmem>>, vector<16xi32>,
    %get3A_1008 = vector.shape_cast %get3A_1007 : vector<16xi32> to vector<16xi32>
    %get3A_1009 = arith.constant 144 : index
    %get3A_1010 = tpu.vector_load %arg11[%get3A_1009] {strides = array<i32>} : memref<512xi32, #tpu.memory_space<vmem>>, vector<16xi32>,
    %get3A_1011 = vector.shape_cast %get3A_1010 : vector<16xi32> to vector<16xi32>
    %shift_right_arithmetic3A_1012 = arith.constant 3 : i32
    %shift_right_arithmetic3A_1013 = vector.broadcast %shift_right_arithmetic3A_1012 : i32 to vector<16xi32>
    %shift_right_arithmetic3A_1014 = arith.shrsi %get3A_1008, %shift_right_arithmetic3A_1013 : vector<16xi32>
    %select_n3A_1015 = arith.select %eq3A_721, %get3A_1011, %shift_right_arithmetic3A_1014 : vector<16xi1>, vector<16xi32>
    %swap3A_1016 = arith.constant 144 : index
    %swap3A_1017 = tpu.vector_load %arg11[%swap3A_1016] {strides = array<i32>} : memref<512xi32, #tpu.memory_space<vmem>>, vector<16xi32>,
    %swap3A_1018 = vector.shape_cast %swap3A_1017 : vector<16xi32> to vector<16xi32>
    %swap3A_1019 = vector.shape_cast %select_n3A_1015 : vector<16xi32> to vector<16xi32>
    tpu.vector_store %arg11[%swap3A_1016], %swap3A_1019 {strides = array<i32>} : memref<512xi32, #tpu.memory_space<vmem>>, vector<16xi32>,
    %get3A_1020 = arith.constant 160 : index
    %get3A_1021 = tpu.vector_load %arg9[%get3A_1020] {strides = array<i32>} : memref<512xi32, #tpu.memory_space<vmem>>, vector<16xi32>,
    %get3A_1022 = vector.shape_cast %get3A_1021 : vector<16xi32> to vector<16xi32>
    %get3A_1023 = arith.constant 160 : index
    %get3A_1024 = tpu.vector_load %arg11[%get3A_1023] {strides = array<i32>} : memref<512xi32, #tpu.memory_space<vmem>>, vector<16xi32>,
    %get3A_1025 = vector.shape_cast %get3A_1024 : vector<16xi32> to vector<16xi32>
    %shift_right_arithmetic3A_1026 = arith.constant 3 : i32
    %shift_right_arithmetic3A_1027 = vector.broadcast %shift_right_arithmetic3A_1026 : i32 to vector<16xi32>
    %shift_right_arithmetic3A_1028 = arith.shrsi %get3A_1022, %shift_right_arithmetic3A_1027 : vector<16xi32>
    %select_n3A_1029 = arith.select %eq3A_721, %get3A_1025, %shift_right_arithmetic3A_1028 : vector<16xi1>, vector<16xi32>
    %swap3A_1030 = arith.constant 160 : index
    %swap3A_1031 = tpu.vector_load %arg11[%swap3A_1030] {strides = array<i32>} : memref<512xi32, #tpu.memory_space<vmem>>, vector<16xi32>,
    %swap3A_1032 = vector.shape_cast %swap3A_1031 : vector<16xi32> to vector<16xi32>
    %swap3A_1033 = vector.shape_cast %select_n3A_1029 : vector<16xi32> to vector<16xi32>
    tpu.vector_store %arg11[%swap3A_1030], %swap3A_1033 {strides = array<i32>} : memref<512xi32, #tpu.memory_space<vmem>>, vector<16xi32>,
    %get3A_1034 = arith.constant 176 : index
    %get3A_1035 = tpu.vector_load %arg9[%get3A_1034] {strides = array<i32>} : memref<512xi32, #tpu.memory_space<vmem>>, vector<16xi32>,
    %get3A_1036 = vector.shape_cast %get3A_1035 : vector<16xi32> to vector<16xi32>
    %get3A_1037 = arith.constant 176 : index
    %get3A_1038 = tpu.vector_load %arg11[%get3A_1037] {strides = array<i32>} : memref<512xi32, #tpu.memory_space<vmem>>, vector<16xi32>,
    %get3A_1039 = vector.shape_cast %get3A_1038 : vector<16xi32> to vector<16xi32>
    %shift_right_arithmetic3A_1040 = arith.constant 3 : i32
    %shift_right_arithmetic3A_1041 = vector.broadcast %shift_right_arithmetic3A_1040 : i32 to vector<16xi32>
    %shift_right_arithmetic3A_1042 = arith.shrsi %get3A_1036, %shift_right_arithmetic3A_1041 : vector<16xi32>
    %select_n3A_1043 = arith.select %eq3A_721, %get3A_1039, %shift_right_arithmetic3A_1042 : vector<16xi1>, vector<16xi32>
    %swap3A_1044 = arith.constant 176 : index
    %swap3A_1045 = tpu.vector_load %arg11[%swap3A_1044] {strides = array<i32>} : memref<512xi32, #tpu.memory_space<vmem>>, vector<16xi32>,
    %swap3A_1046 = vector.shape_cast %swap3A_1045 : vector<16xi32> to vector<16xi32>
    %swap3A_1047 = vector.shape_cast %select_n3A_1043 : vector<16xi32> to vector<16xi32>
    tpu.vector_store %arg11[%swap3A_1044], %swap3A_1047 {strides = array<i32>} : memref<512xi32, #tpu.memory_space<vmem>>, vector<16xi32>,
    %get3A_1048 = arith.constant 192 : index
    %get3A_1049 = tpu.vector_load %arg9[%get3A_1048] {strides = array<i32>} : memref<512xi32, #tpu.memory_space<vmem>>, vector<16xi32>,
    %get3A_1050 = vector.shape_cast %get3A_1049 : vector<16xi32> to vector<16xi32>
    %get3A_1051 = arith.constant 192 : index
    %get3A_1052 = tpu.vector_load %arg11[%get3A_1051] {strides = array<i32>} : memref<512xi32, #tpu.memory_space<vmem>>, vector<16xi32>,
    %get3A_1053 = vector.shape_cast %get3A_1052 : vector<16xi32> to vector<16xi32>
    %shift_right_arithmetic3A_1054 = arith.constant 3 : i32
    %shift_right_arithmetic3A_1055 = vector.broadcast %shift_right_arithmetic3A_1054 : i32 to vector<16xi32>
    %shift_right_arithmetic3A_1056 = arith.shrsi %get3A_1050, %shift_right_arithmetic3A_1055 : vector<16xi32>
    %select_n3A_1057 = arith.select %eq3A_721, %get3A_1053, %shift_right_arithmetic3A_1056 : vector<16xi1>, vector<16xi32>
    %swap3A_1058 = arith.constant 192 : index
    %swap3A_1059 = tpu.vector_load %arg11[%swap3A_1058] {strides = array<i32>} : memref<512xi32, #tpu.memory_space<vmem>>, vector<16xi32>,
    %swap3A_1060 = vector.shape_cast %swap3A_1059 : vector<16xi32> to vector<16xi32>
    %swap3A_1061 = vector.shape_cast %select_n3A_1057 : vector<16xi32> to vector<16xi32>
    tpu.vector_store %arg11[%swap3A_1058], %swap3A_1061 {strides = array<i32>} : memref<512xi32, #tpu.memory_space<vmem>>, vector<16xi32>,
    %get3A_1062 = arith.constant 208 : index
    %get3A_1063 = tpu.vector_load %arg9[%get3A_1062] {strides = array<i32>} : memref<512xi32, #tpu.memory_space<vmem>>, vector<16xi32>,
    %get3A_1064 = vector.shape_cast %get3A_1063 : vector<16xi32> to vector<16xi32>
    %get3A_1065 = arith.constant 208 : index
    %get3A_1066 = tpu.vector_load %arg11[%get3A_1065] {strides = array<i32>} : memref<512xi32, #tpu.memory_space<vmem>>, vector<16xi32>,
    %get3A_1067 = vector.shape_cast %get3A_1066 : vector<16xi32> to vector<16xi32>
    %shift_right_arithmetic3A_1068 = arith.constant 3 : i32
    %shift_right_arithmetic3A_1069 = vector.broadcast %shift_right_arithmetic3A_1068 : i32 to vector<16xi32>
    %shift_right_arithmetic3A_1070 = arith.shrsi %get3A_1064, %shift_right_arithmetic3A_1069 : vector<16xi32>
    %select_n3A_1071 = arith.select %eq3A_721, %get3A_1067, %shift_right_arithmetic3A_1070 : vector<16xi1>, vector<16xi32>
    %swap3A_1072 = arith.constant 208 : index
    %swap3A_1073 = tpu.vector_load %arg11[%swap3A_1072] {strides = array<i32>} : memref<512xi32, #tpu.memory_space<vmem>>, vector<16xi32>,
    %swap3A_1074 = vector.shape_cast %swap3A_1073 : vector<16xi32> to vector<16xi32>
    %swap3A_1075 = vector.shape_cast %select_n3A_1071 : vector<16xi32> to vector<16xi32>
    tpu.vector_store %arg11[%swap3A_1072], %swap3A_1075 {strides = array<i32>} : memref<512xi32, #tpu.memory_space<vmem>>, vector<16xi32>,
    %get3A_1076 = arith.constant 224 : index
    %get3A_1077 = tpu.vector_load %arg9[%get3A_1076] {strides = array<i32>} : memref<512xi32, #tpu.memory_space<vmem>>, vector<16xi32>,
    %get3A_1078 = vector.shape_cast %get3A_1077 : vector<16xi32> to vector<16xi32>
    %get3A_1079 = arith.constant 224 : index
    %get3A_1080 = tpu.vector_load %arg11[%get3A_1079] {strides = array<i32>} : memref<512xi32, #tpu.memory_space<vmem>>, vector<16xi32>,
    %get3A_1081 = vector.shape_cast %get3A_1080 : vector<16xi32> to vector<16xi32>
    %shift_right_arithmetic3A_1082 = arith.constant 3 : i32
    %shift_right_arithmetic3A_1083 = vector.broadcast %shift_right_arithmetic3A_1082 : i32 to vector<16xi32>
    %shift_right_arithmetic3A_1084 = arith.shrsi %get3A_1078, %shift_right_arithmetic3A_1083 : vector<16xi32>
    %select_n3A_1085 = arith.select %eq3A_721, %get3A_1081, %shift_right_arithmetic3A_1084 : vector<16xi1>, vector<16xi32>
    %swap3A_1086 = arith.constant 224 : index
    %swap3A_1087 = tpu.vector_load %arg11[%swap3A_1086] {strides = array<i32>} : memref<512xi32, #tpu.memory_space<vmem>>, vector<16xi32>,
    %swap3A_1088 = vector.shape_cast %swap3A_1087 : vector<16xi32> to vector<16xi32>
    %swap3A_1089 = vector.shape_cast %select_n3A_1085 : vector<16xi32> to vector<16xi32>
    tpu.vector_store %arg11[%swap3A_1086], %swap3A_1089 {strides = array<i32>} : memref<512xi32, #tpu.memory_space<vmem>>, vector<16xi32>,
    %get3A_1090 = arith.constant 240 : index
    %get3A_1091 = tpu.vector_load %arg9[%get3A_1090] {strides = array<i32>} : memref<512xi32, #tpu.memory_space<vmem>>, vector<16xi32>,
    %get3A_1092 = vector.shape_cast %get3A_1091 : vector<16xi32> to vector<16xi32>
    %get3A_1093 = arith.constant 240 : index
    %get3A_1094 = tpu.vector_load %arg11[%get3A_1093] {strides = array<i32>} : memref<512xi32, #tpu.memory_space<vmem>>, vector<16xi32>,
    %get3A_1095 = vector.shape_cast %get3A_1094 : vector<16xi32> to vector<16xi32>
    %shift_right_arithmetic3A_1096 = arith.constant 3 : i32
    %shift_right_arithmetic3A_1097 = vector.broadcast %shift_right_arithmetic3A_1096 : i32 to vector<16xi32>
    %shift_right_arithmetic3A_1098 = arith.shrsi %get3A_1092, %shift_right_arithmetic3A_1097 : vector<16xi32>
    %select_n3A_1099 = arith.select %eq3A_721, %get3A_1095, %shift_right_arithmetic3A_1098 : vector<16xi1>, vector<16xi32>
    %swap3A_1100 = arith.constant 240 : index
    %swap3A_1101 = tpu.vector_load %arg11[%swap3A_1100] {strides = array<i32>} : memref<512xi32, #tpu.memory_space<vmem>>, vector<16xi32>,
    %swap3A_1102 = vector.shape_cast %swap3A_1101 : vector<16xi32> to vector<16xi32>
    %swap3A_1103 = vector.shape_cast %select_n3A_1099 : vector<16xi32> to vector<16xi32>
    tpu.vector_store %arg11[%swap3A_1100], %swap3A_1103 {strides = array<i32>} : memref<512xi32, #tpu.memory_space<vmem>>, vector<16xi32>,
    %get3A_1104 = arith.constant 256 : index
    %get3A_1105 = tpu.vector_load %arg9[%get3A_1104] {strides = array<i32>} : memref<512xi32, #tpu.memory_space<vmem>>, vector<16xi32>,
    %get3A_1106 = vector.shape_cast %get3A_1105 : vector<16xi32> to vector<16xi32>
    %get3A_1107 = arith.constant 256 : index
    %get3A_1108 = tpu.vector_load %arg11[%get3A_1107] {strides = array<i32>} : memref<512xi32, #tpu.memory_space<vmem>>, vector<16xi32>,
    %get3A_1109 = vector.shape_cast %get3A_1108 : vector<16xi32> to vector<16xi32>
    %shift_right_arithmetic3A_1110 = arith.constant 3 : i32
    %shift_right_arithmetic3A_1111 = vector.broadcast %shift_right_arithmetic3A_1110 : i32 to vector<16xi32>
    %shift_right_arithmetic3A_1112 = arith.shrsi %get3A_1106, %shift_right_arithmetic3A_1111 : vector<16xi32>
    %select_n3A_1113 = arith.select %eq3A_721, %get3A_1109, %shift_right_arithmetic3A_1112 : vector<16xi1>, vector<16xi32>
    %swap3A_1114 = arith.constant 256 : index
    %swap3A_1115 = tpu.vector_load %arg11[%swap3A_1114] {strides = array<i32>} : memref<512xi32, #tpu.memory_space<vmem>>, vector<16xi32>,
    %swap3A_1116 = vector.shape_cast %swap3A_1115 : vector<16xi32> to vector<16xi32>
    %swap3A_1117 = vector.shape_cast %select_n3A_1113 : vector<16xi32> to vector<16xi32>
    tpu.vector_store %arg11[%swap3A_1114], %swap3A_1117 {strides = array<i32>} : memref<512xi32, #tpu.memory_space<vmem>>, vector<16xi32>,
    %get3A_1118 = arith.constant 272 : index
    %get3A_1119 = tpu.vector_load %arg9[%get3A_1118] {strides = array<i32>} : memref<512xi32, #tpu.memory_space<vmem>>, vector<16xi32>,
    %get3A_1120 = vector.shape_cast %get3A_1119 : vector<16xi32> to vector<16xi32>
    %get3A_1121 = arith.constant 272 : index
    %get3A_1122 = tpu.vector_load %arg11[%get3A_1121] {strides = array<i32>} : memref<512xi32, #tpu.memory_space<vmem>>, vector<16xi32>,
    %get3A_1123 = vector.shape_cast %get3A_1122 : vector<16xi32> to vector<16xi32>
    %shift_right_arithmetic3A_1124 = arith.constant 3 : i32
    %shift_right_arithmetic3A_1125 = vector.broadcast %shift_right_arithmetic3A_1124 : i32 to vector<16xi32>
    %shift_right_arithmetic3A_1126 = arith.shrsi %get3A_1120, %shift_right_arithmetic3A_1125 : vector<16xi32>
    %select_n3A_1127 = arith.select %eq3A_721, %get3A_1123, %shift_right_arithmetic3A_1126 : vector<16xi1>, vector<16xi32>
    %swap3A_1128 = arith.constant 272 : index
    %swap3A_1129 = tpu.vector_load %arg11[%swap3A_1128] {strides = array<i32>} : memref<512xi32, #tpu.memory_space<vmem>>, vector<16xi32>,
    %swap3A_1130 = vector.shape_cast %swap3A_1129 : vector<16xi32> to vector<16xi32>
    %swap3A_1131 = vector.shape_cast %select_n3A_1127 : vector<16xi32> to vector<16xi32>
    tpu.vector_store %arg11[%swap3A_1128], %swap3A_1131 {strides = array<i32>} : memref<512xi32, #tpu.memory_space<vmem>>, vector<16xi32>,
    %get3A_1132 = arith.constant 288 : index
    %get3A_1133 = tpu.vector_load %arg9[%get3A_1132] {strides = array<i32>} : memref<512xi32, #tpu.memory_space<vmem>>, vector<16xi32>,
    %get3A_1134 = vector.shape_cast %get3A_1133 : vector<16xi32> to vector<16xi32>
    %get3A_1135 = arith.constant 288 : index
    %get3A_1136 = tpu.vector_load %arg11[%get3A_1135] {strides = array<i32>} : memref<512xi32, #tpu.memory_space<vmem>>, vector<16xi32>,
    %get3A_1137 = vector.shape_cast %get3A_1136 : vector<16xi32> to vector<16xi32>
    %shift_right_arithmetic3A_1138 = arith.constant 3 : i32
    %shift_right_arithmetic3A_1139 = vector.broadcast %shift_right_arithmetic3A_1138 : i32 to vector<16xi32>
    %shift_right_arithmetic3A_1140 = arith.shrsi %get3A_1134, %shift_right_arithmetic3A_1139 : vector<16xi32>
    %select_n3A_1141 = arith.select %eq3A_721, %get3A_1137, %shift_right_arithmetic3A_1140 : vector<16xi1>, vector<16xi32>
    %swap3A_1142 = arith.constant 288 : index
    %swap3A_1143 = tpu.vector_load %arg11[%swap3A_1142] {strides = array<i32>} : memref<512xi32, #tpu.memory_space<vmem>>, vector<16xi32>,
    %swap3A_1144 = vector.shape_cast %swap3A_1143 : vector<16xi32> to vector<16xi32>
    %swap3A_1145 = vector.shape_cast %select_n3A_1141 : vector<16xi32> to vector<16xi32>
    tpu.vector_store %arg11[%swap3A_1142], %swap3A_1145 {strides = array<i32>} : memref<512xi32, #tpu.memory_space<vmem>>, vector<16xi32>,
    %get3A_1146 = arith.constant 304 : index
    %get3A_1147 = tpu.vector_load %arg9[%get3A_1146] {strides = array<i32>} : memref<512xi32, #tpu.memory_space<vmem>>, vector<16xi32>,
    %get3A_1148 = vector.shape_cast %get3A_1147 : vector<16xi32> to vector<16xi32>
    %get3A_1149 = arith.constant 304 : index
    %get3A_1150 = tpu.vector_load %arg11[%get3A_1149] {strides = array<i32>} : memref<512xi32, #tpu.memory_space<vmem>>, vector<16xi32>,
    %get3A_1151 = vector.shape_cast %get3A_1150 : vector<16xi32> to vector<16xi32>
    %shift_right_arithmetic3A_1152 = arith.constant 3 : i32
    %shift_right_arithmetic3A_1153 = vector.broadcast %shift_right_arithmetic3A_1152 : i32 to vector<16xi32>
    %shift_right_arithmetic3A_1154 = arith.shrsi %get3A_1148, %shift_right_arithmetic3A_1153 : vector<16xi32>
    %select_n3A_1155 = arith.select %eq3A_721, %get3A_1151, %shift_right_arithmetic3A_1154 : vector<16xi1>, vector<16xi32>
    %swap3A_1156 = arith.constant 304 : index
    %swap3A_1157 = tpu.vector_load %arg11[%swap3A_1156] {strides = array<i32>} : memref<512xi32, #tpu.memory_space<vmem>>, vector<16xi32>,
    %swap3A_1158 = vector.shape_cast %swap3A_1157 : vector<16xi32> to vector<16xi32>
    %swap3A_1159 = vector.shape_cast %select_n3A_1155 : vector<16xi32> to vector<16xi32>
    tpu.vector_store %arg11[%swap3A_1156], %swap3A_1159 {strides = array<i32>} : memref<512xi32, #tpu.memory_space<vmem>>, vector<16xi32>,
    %get3A_1160 = arith.constant 320 : index
    %get3A_1161 = tpu.vector_load %arg9[%get3A_1160] {strides = array<i32>} : memref<512xi32, #tpu.memory_space<vmem>>, vector<16xi32>,
    %get3A_1162 = vector.shape_cast %get3A_1161 : vector<16xi32> to vector<16xi32>
    %get3A_1163 = arith.constant 320 : index
    %get3A_1164 = tpu.vector_load %arg11[%get3A_1163] {strides = array<i32>} : memref<512xi32, #tpu.memory_space<vmem>>, vector<16xi32>,
    %get3A_1165 = vector.shape_cast %get3A_1164 : vector<16xi32> to vector<16xi32>
    %shift_right_arithmetic3A_1166 = arith.constant 3 : i32
    %shift_right_arithmetic3A_1167 = vector.broadcast %shift_right_arithmetic3A_1166 : i32 to vector<16xi32>
    %shift_right_arithmetic3A_1168 = arith.shrsi %get3A_1162, %shift_right_arithmetic3A_1167 : vector<16xi32>
    %select_n3A_1169 = arith.select %eq3A_721, %get3A_1165, %shift_right_arithmetic3A_1168 : vector<16xi1>, vector<16xi32>
    %swap3A_1170 = arith.constant 320 : index
    %swap3A_1171 = tpu.vector_load %arg11[%swap3A_1170] {strides = array<i32>} : memref<512xi32, #tpu.memory_space<vmem>>, vector<16xi32>,
    %swap3A_1172 = vector.shape_cast %swap3A_1171 : vector<16xi32> to vector<16xi32>
    %swap3A_1173 = vector.shape_cast %select_n3A_1169 : vector<16xi32> to vector<16xi32>
    tpu.vector_store %arg11[%swap3A_1170], %swap3A_1173 {strides = array<i32>} : memref<512xi32, #tpu.memory_space<vmem>>, vector<16xi32>,
    %get3A_1174 = arith.constant 336 : index
    %get3A_1175 = tpu.vector_load %arg9[%get3A_1174] {strides = array<i32>} : memref<512xi32, #tpu.memory_space<vmem>>, vector<16xi32>,
    %get3A_1176 = vector.shape_cast %get3A_1175 : vector<16xi32> to vector<16xi32>
    %get3A_1177 = arith.constant 336 : index
    %get3A_1178 = tpu.vector_load %arg11[%get3A_1177] {strides = array<i32>} : memref<512xi32, #tpu.memory_space<vmem>>, vector<16xi32>,
    %get3A_1179 = vector.shape_cast %get3A_1178 : vector<16xi32> to vector<16xi32>
    %shift_right_arithmetic3A_1180 = arith.constant 3 : i32
    %shift_right_arithmetic3A_1181 = vector.broadcast %shift_right_arithmetic3A_1180 : i32 to vector<16xi32>
    %shift_right_arithmetic3A_1182 = arith.shrsi %get3A_1176, %shift_right_arithmetic3A_1181 : vector<16xi32>
    %select_n3A_1183 = arith.select %eq3A_721, %get3A_1179, %shift_right_arithmetic3A_1182 : vector<16xi1>, vector<16xi32>
    %swap3A_1184 = arith.constant 336 : index
    %swap3A_1185 = tpu.vector_load %arg11[%swap3A_1184] {strides = array<i32>} : memref<512xi32, #tpu.memory_space<vmem>>, vector<16xi32>,
    %swap3A_1186 = vector.shape_cast %swap3A_1185 : vector<16xi32> to vector<16xi32>
    %swap3A_1187 = vector.shape_cast %select_n3A_1183 : vector<16xi32> to vector<16xi32>
    tpu.vector_store %arg11[%swap3A_1184], %swap3A_1187 {strides = array<i32>} : memref<512xi32, #tpu.memory_space<vmem>>, vector<16xi32>,
    %get3A_1188 = arith.constant 352 : index
    %get3A_1189 = tpu.vector_load %arg9[%get3A_1188] {strides = array<i32>} : memref<512xi32, #tpu.memory_space<vmem>>, vector<16xi32>,
    %get3A_1190 = vector.shape_cast %get3A_1189 : vector<16xi32> to vector<16xi32>
    %get3A_1191 = arith.constant 352 : index
    %get3A_1192 = tpu.vector_load %arg11[%get3A_1191] {strides = array<i32>} : memref<512xi32, #tpu.memory_space<vmem>>, vector<16xi32>,
    %get3A_1193 = vector.shape_cast %get3A_1192 : vector<16xi32> to vector<16xi32>
    %shift_right_arithmetic3A_1194 = arith.constant 3 : i32
    %shift_right_arithmetic3A_1195 = vector.broadcast %shift_right_arithmetic3A_1194 : i32 to vector<16xi32>
    %shift_right_arithmetic3A_1196 = arith.shrsi %get3A_1190, %shift_right_arithmetic3A_1195 : vector<16xi32>
    %select_n3A_1197 = arith.select %eq3A_721, %get3A_1193, %shift_right_arithmetic3A_1196 : vector<16xi1>, vector<16xi32>
    %swap3A_1198 = arith.constant 352 : index
    %swap3A_1199 = tpu.vector_load %arg11[%swap3A_1198] {strides = array<i32>} : memref<512xi32, #tpu.memory_space<vmem>>, vector<16xi32>,
    %swap3A_1200 = vector.shape_cast %swap3A_1199 : vector<16xi32> to vector<16xi32>
    %swap3A_1201 = vector.shape_cast %select_n3A_1197 : vector<16xi32> to vector<16xi32>
    tpu.vector_store %arg11[%swap3A_1198], %swap3A_1201 {strides = array<i32>} : memref<512xi32, #tpu.memory_space<vmem>>, vector<16xi32>,
    %get3A_1202 = arith.constant 368 : index
    %get3A_1203 = tpu.vector_load %arg9[%get3A_1202] {strides = array<i32>} : memref<512xi32, #tpu.memory_space<vmem>>, vector<16xi32>,
    %get3A_1204 = vector.shape_cast %get3A_1203 : vector<16xi32> to vector<16xi32>
    %get3A_1205 = arith.constant 368 : index
    %get3A_1206 = tpu.vector_load %arg11[%get3A_1205] {strides = array<i32>} : memref<512xi32, #tpu.memory_space<vmem>>, vector<16xi32>,
    %get3A_1207 = vector.shape_cast %get3A_1206 : vector<16xi32> to vector<16xi32>
    %shift_right_arithmetic3A_1208 = arith.constant 3 : i32
    %shift_right_arithmetic3A_1209 = vector.broadcast %shift_right_arithmetic3A_1208 : i32 to vector<16xi32>
    %shift_right_arithmetic3A_1210 = arith.shrsi %get3A_1204, %shift_right_arithmetic3A_1209 : vector<16xi32>
    %select_n3A_1211 = arith.select %eq3A_721, %get3A_1207, %shift_right_arithmetic3A_1210 : vector<16xi1>, vector<16xi32>
    %swap3A_1212 = arith.constant 368 : index
    %swap3A_1213 = tpu.vector_load %arg11[%swap3A_1212] {strides = array<i32>} : memref<512xi32, #tpu.memory_space<vmem>>, vector<16xi32>,
    %swap3A_1214 = vector.shape_cast %swap3A_1213 : vector<16xi32> to vector<16xi32>
    %swap3A_1215 = vector.shape_cast %select_n3A_1211 : vector<16xi32> to vector<16xi32>
    tpu.vector_store %arg11[%swap3A_1212], %swap3A_1215 {strides = array<i32>} : memref<512xi32, #tpu.memory_space<vmem>>, vector<16xi32>,
    %get3A_1216 = arith.constant 384 : index
    %get3A_1217 = tpu.vector_load %arg9[%get3A_1216] {strides = array<i32>} : memref<512xi32, #tpu.memory_space<vmem>>, vector<16xi32>,
    %get3A_1218 = vector.shape_cast %get3A_1217 : vector<16xi32> to vector<16xi32>
    %get3A_1219 = arith.constant 384 : index
    %get3A_1220 = tpu.vector_load %arg11[%get3A_1219] {strides = array<i32>} : memref<512xi32, #tpu.memory_space<vmem>>, vector<16xi32>,
    %get3A_1221 = vector.shape_cast %get3A_1220 : vector<16xi32> to vector<16xi32>
    %shift_right_arithmetic3A_1222 = arith.constant 3 : i32
    %shift_right_arithmetic3A_1223 = vector.broadcast %shift_right_arithmetic3A_1222 : i32 to vector<16xi32>
    %shift_right_arithmetic3A_1224 = arith.shrsi %get3A_1218, %shift_right_arithmetic3A_1223 : vector<16xi32>
    %select_n3A_1225 = arith.select %eq3A_721, %get3A_1221, %shift_right_arithmetic3A_1224 : vector<16xi1>, vector<16xi32>
    %swap3A_1226 = arith.constant 384 : index
    %swap3A_1227 = tpu.vector_load %arg11[%swap3A_1226] {strides = array<i32>} : memref<512xi32, #tpu.memory_space<vmem>>, vector<16xi32>,
    %swap3A_1228 = vector.shape_cast %swap3A_1227 : vector<16xi32> to vector<16xi32>
    %swap3A_1229 = vector.shape_cast %select_n3A_1225 : vector<16xi32> to vector<16xi32>
    tpu.vector_store %arg11[%swap3A_1226], %swap3A_1229 {strides = array<i32>} : memref<512xi32, #tpu.memory_space<vmem>>, vector<16xi32>,
    %get3A_1230 = arith.constant 400 : index
    %get3A_1231 = tpu.vector_load %arg9[%get3A_1230] {strides = array<i32>} : memref<512xi32, #tpu.memory_space<vmem>>, vector<16xi32>,
    %get3A_1232 = vector.shape_cast %get3A_1231 : vector<16xi32> to vector<16xi32>
    %get3A_1233 = arith.constant 400 : index
    %get3A_1234 = tpu.vector_load %arg11[%get3A_1233] {strides = array<i32>} : memref<512xi32, #tpu.memory_space<vmem>>, vector<16xi32>,
    %get3A_1235 = vector.shape_cast %get3A_1234 : vector<16xi32> to vector<16xi32>
    %shift_right_arithmetic3A_1236 = arith.constant 3 : i32
    %shift_right_arithmetic3A_1237 = vector.broadcast %shift_right_arithmetic3A_1236 : i32 to vector<16xi32>
    %shift_right_arithmetic3A_1238 = arith.shrsi %get3A_1232, %shift_right_arithmetic3A_1237 : vector<16xi32>
    %select_n3A_1239 = arith.select %eq3A_721, %get3A_1235, %shift_right_arithmetic3A_1238 : vector<16xi1>, vector<16xi32>
    %swap3A_1240 = arith.constant 400 : index
    %swap3A_1241 = tpu.vector_load %arg11[%swap3A_1240] {strides = array<i32>} : memref<512xi32, #tpu.memory_space<vmem>>, vector<16xi32>,
    %swap3A_1242 = vector.shape_cast %swap3A_1241 : vector<16xi32> to vector<16xi32>
    %swap3A_1243 = vector.shape_cast %select_n3A_1239 : vector<16xi32> to vector<16xi32>
    tpu.vector_store %arg11[%swap3A_1240], %swap3A_1243 {strides = array<i32>} : memref<512xi32, #tpu.memory_space<vmem>>, vector<16xi32>,
    %get3A_1244 = arith.constant 416 : index
    %get3A_1245 = tpu.vector_load %arg9[%get3A_1244] {strides = array<i32>} : memref<512xi32, #tpu.memory_space<vmem>>, vector<16xi32>,
    %get3A_1246 = vector.shape_cast %get3A_1245 : vector<16xi32> to vector<16xi32>
    %get3A_1247 = arith.constant 416 : index
    %get3A_1248 = tpu.vector_load %arg11[%get3A_1247] {strides = array<i32>} : memref<512xi32, #tpu.memory_space<vmem>>, vector<16xi32>,
    %get3A_1249 = vector.shape_cast %get3A_1248 : vector<16xi32> to vector<16xi32>
    %shift_right_arithmetic3A_1250 = arith.constant 3 : i32
    %shift_right_arithmetic3A_1251 = vector.broadcast %shift_right_arithmetic3A_1250 : i32 to vector<16xi32>
    %shift_right_arithmetic3A_1252 = arith.shrsi %get3A_1246, %shift_right_arithmetic3A_1251 : vector<16xi32>
    %select_n3A_1253 = arith.select %eq3A_721, %get3A_1249, %shift_right_arithmetic3A_1252 : vector<16xi1>, vector<16xi32>
    %swap3A_1254 = arith.constant 416 : index
    %swap3A_1255 = tpu.vector_load %arg11[%swap3A_1254] {strides = array<i32>} : memref<512xi32, #tpu.memory_space<vmem>>, vector<16xi32>,
    %swap3A_1256 = vector.shape_cast %swap3A_1255 : vector<16xi32> to vector<16xi32>
    %swap3A_1257 = vector.shape_cast %select_n3A_1253 : vector<16xi32> to vector<16xi32>
    tpu.vector_store %arg11[%swap3A_1254], %swap3A_1257 {strides = array<i32>} : memref<512xi32, #tpu.memory_space<vmem>>, vector<16xi32>,
    %get3A_1258 = arith.constant 432 : index
    %get3A_1259 = tpu.vector_load %arg9[%get3A_1258] {strides = array<i32>} : memref<512xi32, #tpu.memory_space<vmem>>, vector<16xi32>,
    %get3A_1260 = vector.shape_cast %get3A_1259 : vector<16xi32> to vector<16xi32>
    %get3A_1261 = arith.constant 432 : index
    %get3A_1262 = tpu.vector_load %arg11[%get3A_1261] {strides = array<i32>} : memref<512xi32, #tpu.memory_space<vmem>>, vector<16xi32>,
    %get3A_1263 = vector.shape_cast %get3A_1262 : vector<16xi32> to vector<16xi32>
    %shift_right_arithmetic3A_1264 = arith.constant 3 : i32
    %shift_right_arithmetic3A_1265 = vector.broadcast %shift_right_arithmetic3A_1264 : i32 to vector<16xi32>
    %shift_right_arithmetic3A_1266 = arith.shrsi %get3A_1260, %shift_right_arithmetic3A_1265 : vector<16xi32>
    %select_n3A_1267 = arith.select %eq3A_721, %get3A_1263, %shift_right_arithmetic3A_1266 : vector<16xi1>, vector<16xi32>
    %swap3A_1268 = arith.constant 432 : index
    %swap3A_1269 = tpu.vector_load %arg11[%swap3A_1268] {strides = array<i32>} : memref<512xi32, #tpu.memory_space<vmem>>, vector<16xi32>,
    %swap3A_1270 = vector.shape_cast %swap3A_1269 : vector<16xi32> to vector<16xi32>
    %swap3A_1271 = vector.shape_cast %select_n3A_1267 : vector<16xi32> to vector<16xi32>
    tpu.vector_store %arg11[%swap3A_1268], %swap3A_1271 {strides = array<i32>} : memref<512xi32, #tpu.memory_space<vmem>>, vector<16xi32>,
    %get3A_1272 = arith.constant 448 : index
    %get3A_1273 = tpu.vector_load %arg9[%get3A_1272] {strides = array<i32>} : memref<512xi32, #tpu.memory_space<vmem>>, vector<16xi32>,
    %get3A_1274 = vector.shape_cast %get3A_1273 : vector<16xi32> to vector<16xi32>
    %get3A_1275 = arith.constant 448 : index
    %get3A_1276 = tpu.vector_load %arg11[%get3A_1275] {strides = array<i32>} : memref<512xi32, #tpu.memory_space<vmem>>, vector<16xi32>,
    %get3A_1277 = vector.shape_cast %get3A_1276 : vector<16xi32> to vector<16xi32>
    %shift_right_arithmetic3A_1278 = arith.constant 3 : i32
    %shift_right_arithmetic3A_1279 = vector.broadcast %shift_right_arithmetic3A_1278 : i32 to vector<16xi32>
    %shift_right_arithmetic3A_1280 = arith.shrsi %get3A_1274, %shift_right_arithmetic3A_1279 : vector<16xi32>
    %select_n3A_1281 = arith.select %eq3A_721, %get3A_1277, %shift_right_arithmetic3A_1280 : vector<16xi1>, vector<16xi32>
    %swap3A_1282 = arith.constant 448 : index
    %swap3A_1283 = tpu.vector_load %arg11[%swap3A_1282] {strides = array<i32>} : memref<512xi32, #tpu.memory_space<vmem>>, vector<16xi32>,
    %swap3A_1284 = vector.shape_cast %swap3A_1283 : vector<16xi32> to vector<16xi32>
    %swap3A_1285 = vector.shape_cast %select_n3A_1281 : vector<16xi32> to vector<16xi32>
    tpu.vector_store %arg11[%swap3A_1282], %swap3A_1285 {strides = array<i32>} : memref<512xi32, #tpu.memory_space<vmem>>, vector<16xi32>,
    %get3A_1286 = arith.constant 464 : index
    %get3A_1287 = tpu.vector_load %arg9[%get3A_1286] {strides = array<i32>} : memref<512xi32, #tpu.memory_space<vmem>>, vector<16xi32>,
    %get3A_1288 = vector.shape_cast %get3A_1287 : vector<16xi32> to vector<16xi32>
    %get3A_1289 = arith.constant 464 : index
    %get3A_1290 = tpu.vector_load %arg11[%get3A_1289] {strides = array<i32>} : memref<512xi32, #tpu.memory_space<vmem>>, vector<16xi32>,
    %get3A_1291 = vector.shape_cast %get3A_1290 : vector<16xi32> to vector<16xi32>
    %shift_right_arithmetic3A_1292 = arith.constant 3 : i32
    %shift_right_arithmetic3A_1293 = vector.broadcast %shift_right_arithmetic3A_1292 : i32 to vector<16xi32>
    %shift_right_arithmetic3A_1294 = arith.shrsi %get3A_1288, %shift_right_arithmetic3A_1293 : vector<16xi32>
    %select_n3A_1295 = arith.select %eq3A_721, %get3A_1291, %shift_right_arithmetic3A_1294 : vector<16xi1>, vector<16xi32>
    %swap3A_1296 = arith.constant 464 : index
    %swap3A_1297 = tpu.vector_load %arg11[%swap3A_1296] {strides = array<i32>} : memref<512xi32, #tpu.memory_space<vmem>>, vector<16xi32>,
    %swap3A_1298 = vector.shape_cast %swap3A_1297 : vector<16xi32> to vector<16xi32>
    %swap3A_1299 = vector.shape_cast %select_n3A_1295 : vector<16xi32> to vector<16xi32>
    tpu.vector_store %arg11[%swap3A_1296], %swap3A_1299 {strides = array<i32>} : memref<512xi32, #tpu.memory_space<vmem>>, vector<16xi32>,
    %get3A_1300 = arith.constant 480 : index
    %get3A_1301 = tpu.vector_load %arg9[%get3A_1300] {strides = array<i32>} : memref<512xi32, #tpu.memory_space<vmem>>, vector<16xi32>,
    %get3A_1302 = vector.shape_cast %get3A_1301 : vector<16xi32> to vector<16xi32>
    %get3A_1303 = arith.constant 480 : index
    %get3A_1304 = tpu.vector_load %arg11[%get3A_1303] {strides = array<i32>} : memref<512xi32, #tpu.memory_space<vmem>>, vector<16xi32>,
    %get3A_1305 = vector.shape_cast %get3A_1304 : vector<16xi32> to vector<16xi32>
    %shift_right_arithmetic3A_1306 = arith.constant 3 : i32
    %shift_right_arithmetic3A_1307 = vector.broadcast %shift_right_arithmetic3A_1306 : i32 to vector<16xi32>
    %shift_right_arithmetic3A_1308 = arith.shrsi %get3A_1302, %shift_right_arithmetic3A_1307 : vector<16xi32>
    %select_n3A_1309 = arith.select %eq3A_721, %get3A_1305, %shift_right_arithmetic3A_1308 : vector<16xi1>, vector<16xi32>
    %swap3A_1310 = arith.constant 480 : index
    %swap3A_1311 = tpu.vector_load %arg11[%swap3A_1310] {strides = array<i32>} : memref<512xi32, #tpu.memory_space<vmem>>, vector<16xi32>,
    %swap3A_1312 = vector.shape_cast %swap3A_1311 : vector<16xi32> to vector<16xi32>
    %swap3A_1313 = vector.shape_cast %select_n3A_1309 : vector<16xi32> to vector<16xi32>
    tpu.vector_store %arg11[%swap3A_1310], %swap3A_1313 {strides = array<i32>} : memref<512xi32, #tpu.memory_space<vmem>>, vector<16xi32>,
    %get3A_1314 = arith.constant 496 : index
    %get3A_1315 = tpu.vector_load %arg9[%get3A_1314] {strides = array<i32>} : memref<512xi32, #tpu.memory_space<vmem>>, vector<16xi32>,
    %get3A_1316 = vector.shape_cast %get3A_1315 : vector<16xi32> to vector<16xi32>
    %get3A_1317 = arith.constant 496 : index
    %get3A_1318 = tpu.vector_load %arg11[%get3A_1317] {strides = array<i32>} : memref<512xi32, #tpu.memory_space<vmem>>, vector<16xi32>,
    %get3A_1319 = vector.shape_cast %get3A_1318 : vector<16xi32> to vector<16xi32>
    %shift_right_arithmetic3A_1320 = arith.constant 3 : i32
    %shift_right_arithmetic3A_1321 = vector.broadcast %shift_right_arithmetic3A_1320 : i32 to vector<16xi32>
    %shift_right_arithmetic3A_1322 = arith.shrsi %get3A_1316, %shift_right_arithmetic3A_1321 : vector<16xi32>
    %select_n3A_1323 = arith.select %eq3A_721, %get3A_1319, %shift_right_arithmetic3A_1322 : vector<16xi1>, vector<16xi32>
    %swap3A_1324 = arith.constant 496 : index
    %swap3A_1325 = tpu.vector_load %arg11[%swap3A_1324] {strides = array<i32>} : memref<512xi32, #tpu.memory_space<vmem>>, vector<16xi32>,
    %swap3A_1326 = vector.shape_cast %swap3A_1325 : vector<16xi32> to vector<16xi32>
    %swap3A_1327 = vector.shape_cast %select_n3A_1323 : vector<16xi32> to vector<16xi32>
    tpu.vector_store %arg11[%swap3A_1324], %swap3A_1327 {strides = array<i32>} : memref<512xi32, #tpu.memory_space<vmem>>, vector<16xi32>,
    "tpu.region"() ({
      %run_scoped3A = tpu.sem_alloc : memref<!tpu.dma_semaphore, #tpu.memory_space<semaphore_mem>>
      %dma_start3A_1330 = tpu.memref_slice %arg4[%mul3A_2] : memref<8192xf32, #tpu.memory_space<hbm>> -> memref<256xf32, #tpu.memory_space<hbm>>
      %dma_start3A_1331 = tpu.memref_slice %arg4[%mul3A_2] : memref<8192xf32, #tpu.memory_space<hbm>> -> memref<256xf32, #tpu.memory_space<hbm>>
      tpu.enqueue_dma source(%arg10 : memref<256xf32, #tpu.memory_space<vmem>>) target(%dma_start3A_1331 : memref<256xf32, #tpu.memory_space<hbm>>) target_semaphore(%run_scoped3A : memref<!tpu.dma_semaphore, #tpu.memory_space<semaphore_mem>>)
      %dma_wait3A_1332 = tpu.memref_slice %arg4[%mul3A_2] : memref<8192xf32, #tpu.memory_space<hbm>> -> memref<256xf32, #tpu.memory_space<hbm>>
      %dma_wait3A_1333 = tpu.memref_slice %arg4[%mul3A_2] : memref<8192xf32, #tpu.memory_space<hbm>> -> memref<256xf32, #tpu.memory_space<hbm>>
      tpu.wait_dma2 semaphore(%run_scoped3A : memref<!tpu.dma_semaphore, #tpu.memory_space<semaphore_mem>>) src(%arg10 : memref<256xf32, #tpu.memory_space<vmem>>) dst(%dma_wait3A_1333 : memref<256xf32, #tpu.memory_space<hbm>>)
      tpu.yield
    }) : () -> ()
    %mul3A_1328 = arith.constant 2 : i32
    %mul3A_1329 = arith.muli %mul3A_2, %mul3A_1328 : i32
    "tpu.region"() ({
      %run_scoped3A = tpu.sem_alloc : memref<!tpu.dma_semaphore, #tpu.memory_space<semaphore_mem>>
      %dma_start3A_1330 = tpu.memref_slice %arg5[%mul3A_1329] : memref<16384xi32, #tpu.memory_space<hbm>> -> memref<512xi32, #tpu.memory_space<hbm>>
      %dma_start3A_1331 = tpu.memref_slice %arg5[%mul3A_1329] : memref<16384xi32, #tpu.memory_space<hbm>> -> memref<512xi32, #tpu.memory_space<hbm>>
      tpu.enqueue_dma source(%arg11 : memref<512xi32, #tpu.memory_space<vmem>>) target(%dma_start3A_1331 : memref<512xi32, #tpu.memory_space<hbm>>) target_semaphore(%run_scoped3A : memref<!tpu.dma_semaphore, #tpu.memory_space<semaphore_mem>>)
      %dma_wait3A_1332 = tpu.memref_slice %arg5[%mul3A_1329] : memref<16384xi32, #tpu.memory_space<hbm>> -> memref<512xi32, #tpu.memory_space<hbm>>
      %dma_wait3A_1333 = tpu.memref_slice %arg5[%mul3A_1329] : memref<16384xi32, #tpu.memory_space<hbm>> -> memref<512xi32, #tpu.memory_space<hbm>>
      tpu.wait_dma2 semaphore(%run_scoped3A : memref<!tpu.dma_semaphore, #tpu.memory_space<semaphore_mem>>) src(%arg11 : memref<512xi32, #tpu.memory_space<vmem>>) dst(%dma_wait3A_1333 : memref<512xi32, #tpu.memory_space<hbm>>)
      tpu.yield
    }) : () -> ()
    return
  }
}

module attributes {stable_mosaic.version = 14 : i64} {
  func.func @_knn_body(%arg0: i32, %arg1: memref<1x1xf32, #tpu.memory_space<vmem>>, %arg2: memref<512x128xf32, #tpu.memory_space<vmem>>, %arg3: memref<1024x128xf32, #tpu.memory_space<vmem>>, %arg4: memref<1024x512xf32, #tpu.memory_space<vmem>>, %arg5: memref<8x512xi32, #tpu.memory_space<vmem>>) attributes {dimension_semantics = [#tpu.dimension_semantics<arbitrary>], iteration_bounds = array<i64: 2>, scalar_prefetch = 0 : i64, scratch_operands = 0 : i64, tpu.core_type = #tpu.core_type<tc>, window_params = [{pipeline_mode = #tpu.pipeline_mode<synchronous>, transform_indices = @transform_0, window_bounds = array<i64: 1, 1>}, {transform_indices = @transform_1, window_bounds = array<i64: 512, 128>}, {pipeline_mode = #tpu.pipeline_mode<synchronous>, transform_indices = @transform_2, window_bounds = array<i64: 1024, 128>}, {transform_indices = @transform_3, window_bounds = array<i64: 1024, 512>}, {transform_indices = @transform_4, window_bounds = array<i64: 8, 512>}]} {
    %get3A = arith.constant 0 : index
    %get3A_0 = arith.constant 0 : index
    %get3A_1 = vector.load %arg2[%get3A, %get3A_0] : memref<512x128xf32, #tpu.memory_space<vmem>>, vector<512x128xf32>
    %get3A_2 = arith.constant 0 : index
    %get3A_3 = arith.constant 0 : index
    %get3A_4 = vector.load %arg3[%get3A_2, %get3A_3] : memref<1024x128xf32, #tpu.memory_space<vmem>>, vector<1024x128xf32>
    %get3A_5 = arith.constant 0 : index
    %get3A_6 = arith.constant 0 : index
    %get3A_7 = vector.load %arg1[%get3A_5, %get3A_6] : memref<1x1xf32, #tpu.memory_space<vmem>>, vector<1x1xf32>
    %get3A_8 = vector.extract %get3A_7[0, 0] : f32 from vector<1x1xf32>
    %dot_general3A = arith.constant dense<0.000000e+00> : vector<1024x512xf32>
    %dot_general3A_9 = tpu.matmul %get3A_4, %get3A_1, %dot_general3A {dimension_numbers = #tpu.dot_dimension_numbers<[1], [1], [0], [0], [0, 0, 1, 0], [], []>, precision = #tpu.contract_precision<fp32>, transpose_lhs_hint = false} : vector<1024x128xf32>, vector<512x128xf32>, vector<1024x512xf32> -> vector<1024x512xf32>
    %mul3A = arith.mulf %get3A_4, %get3A_4 : vector<1024x128xf32>
    %reduce_sum3A = arith.constant dense<0.000000e+00> : vector<1024xf32>
    %reduce_sum3A_10 = vector.multi_reduction <add>, %mul3A, %reduce_sum3A [1] : vector<1024x128xf32> to vector<1024xf32>
    %broadcast_in_dim3A = vector.shape_cast %reduce_sum3A_10 : vector<1024xf32> to vector<1024x1xf32>
    %broadcast_in_dim3A_11 = arith.constant 1.000000e+00 : f32
    %broadcast_in_dim3A_12 = vector.broadcast %broadcast_in_dim3A_11 : f32 to vector<1x128xf32>
    %mul3A_13 = arith.mulf %get3A_1, %get3A_1 : vector<512x128xf32>
    %dot_general3A_14 = arith.constant dense<0.000000e+00> : vector<1x512xf32>
    %dot_general3A_15 = tpu.matmul %broadcast_in_dim3A_12, %mul3A_13, %dot_general3A_14 {dimension_numbers = #tpu.dot_dimension_numbers<[1], [1], [0], [0], [0, 0, 1, 0], [], []>, precision = #tpu.contract_precision<fp32>, transpose_lhs_hint = false} : vector<1x128xf32>, vector<512x128xf32>, vector<1x512xf32> -> vector<1x512xf32>
    %add3A = vector.broadcast %broadcast_in_dim3A : vector<1024x1xf32> to vector<1024x512xf32>
    %add3A_16 = vector.broadcast %dot_general3A_15 : vector<1x512xf32> to vector<1024x512xf32>
    %add3A_17 = arith.addf %add3A, %add3A_16 : vector<1024x512xf32>
    %mul3A_18 = arith.constant 2.000000e+00 : f32
    %mul3A_19 = vector.broadcast %mul3A_18 : f32 to vector<1024x512xf32>
    %mul3A_20 = arith.mulf %mul3A_19, %dot_general3A_9 : vector<1024x512xf32>
    %sub3A = arith.subf %add3A_17, %mul3A_20 : vector<1024x512xf32>
    %iota3A = tpu.iota {dimensions = array<i32: 0>} : vector<1024x512xi32>
    %iota3A_21 = tpu.iota {dimensions = array<i32: 1>} : vector<1024x512xi32>
    %mul3A_22 = arith.constant 512 : i32
    %mul3A_23 = arith.muli %arg0, %mul3A_22 : i32
    %add3A_24 = vector.broadcast %mul3A_23 : i32 to vector<1024x512xi32>
    %add3A_25 = arith.addi %iota3A_21, %add3A_24 : vector<1024x512xi32>
    %mul3A_26 = vector.broadcast %get3A_8 : f32 to vector<1024x512xf32>
    %mul3A_27 = arith.mulf %sub3A, %mul3A_26 : vector<1024x512xf32>
    %eq3A = arith.cmpi eq, %iota3A, %add3A_25 : vector<1024x512xi32>
    %jit3A = arith.constant 0.000000e+00 : f32
    %broadcast_in_dim3A_28 = vector.broadcast %jit3A : f32 to vector<1024x512xf32>
    %select_n3A = arith.select %eq3A, %broadcast_in_dim3A_28, %mul3A_27 : vector<1024x512xi1>, vector<1024x512xf32>
    %swap3A = arith.constant 0 : index
    %swap3A_29 = arith.constant 0 : index
    %swap3A_30 = vector.load %arg4[%swap3A, %swap3A_29] : memref<1024x512xf32, #tpu.memory_space<vmem>>, vector<1024x512xf32>
    tpu.vector_store %arg4[%swap3A, %swap3A_29], %select_n3A {strides = array<i32>} : memref<1024x512xf32, #tpu.memory_space<vmem>>, vector<1024x512xf32>,
    %eq3A_31 = arith.cmpi eq, %iota3A, %add3A_25 : vector<1024x512xi32>
    %jit3A_32 = arith.constant 0x7F800000 : f32
    %broadcast_in_dim3A_33 = vector.broadcast %jit3A_32 : f32 to vector<1024x512xf32>
    %select_n3A_34 = arith.select %eq3A_31, %broadcast_in_dim3A_33, %mul3A_27 : vector<1024x512xi1>, vector<1024x512xf32>
    %slice3A = vector.extract_strided_slice %add3A_25 {offsets = [0, 0], sizes = [1, 512], strides = [1, 1]} : vector<1024x512xi32> to vector<1x512xi32>
    %reduce_min3A = arith.constant dense<0x7F800000> : vector<512xf32>
    %reduce_min3A_35 = vector.multi_reduction <minimumf>, %select_n3A_34, %reduce_min3A [0] : vector<1024x512xf32> to vector<512xf32>
    %broadcast_in_dim3A_36 = vector.shape_cast %reduce_min3A_35 : vector<512xf32> to vector<1x512xf32>
    %eq3A_37 = vector.broadcast %broadcast_in_dim3A_36 : vector<1x512xf32> to vector<1024x512xf32>
    %eq3A_38 = arith.cmpf oeq, %select_n3A_34, %eq3A_37 : vector<1024x512xf32>
    %jit3A_39 = arith.constant 1073741824 : i32
    %broadcast_in_dim3A_40 = vector.broadcast %jit3A_39 : i32 to vector<1024x512xi32>
    %select_n3A_41 = arith.select %eq3A_38, %iota3A, %broadcast_in_dim3A_40 : vector<1024x512xi1>, vector<1024x512xi32>
    %reduce_min3A_42 = arith.constant dense<2147483647> : vector<512xi32>
    %reduce_min3A_43 = vector.multi_reduction <minsi>, %select_n3A_41, %reduce_min3A_42 [0] : vector<1024x512xi32> to vector<512xi32>
    %broadcast_in_dim3A_44 = vector.shape_cast %reduce_min3A_43 : vector<512xi32> to vector<1x512xi32>
    %eq3A_45 = vector.broadcast %broadcast_in_dim3A_44 : vector<1x512xi32> to vector<1024x512xi32>
    %eq3A_46 = arith.cmpi eq, %iota3A, %eq3A_45 : vector<1024x512xi32>
    %jit3A_47 = arith.constant 0x7F800000 : f32
    %broadcast_in_dim3A_48 = vector.broadcast %jit3A_47 : f32 to vector<1024x512xf32>
    %select_n3A_49 = arith.select %eq3A_46, %broadcast_in_dim3A_48, %select_n3A_34 : vector<1024x512xi1>, vector<1024x512xf32>
    %reduce_min3A_50 = arith.constant dense<0x7F800000> : vector<512xf32>
    %reduce_min3A_51 = vector.multi_reduction <minimumf>, %select_n3A_49, %reduce_min3A_50 [0] : vector<1024x512xf32> to vector<512xf32>
    %broadcast_in_dim3A_52 = vector.shape_cast %reduce_min3A_51 : vector<512xf32> to vector<1x512xf32>
    %eq3A_53 = vector.broadcast %broadcast_in_dim3A_52 : vector<1x512xf32> to vector<1024x512xf32>
    %eq3A_54 = arith.cmpf oeq, %select_n3A_49, %eq3A_53 : vector<1024x512xf32>
    %jit3A_55 = arith.constant 1073741824 : i32
    %broadcast_in_dim3A_56 = vector.broadcast %jit3A_55 : i32 to vector<1024x512xi32>
    %select_n3A_57 = arith.select %eq3A_54, %iota3A, %broadcast_in_dim3A_56 : vector<1024x512xi1>, vector<1024x512xi32>
    %reduce_min3A_58 = arith.constant dense<2147483647> : vector<512xi32>
    %reduce_min3A_59 = vector.multi_reduction <minsi>, %select_n3A_57, %reduce_min3A_58 [0] : vector<1024x512xi32> to vector<512xi32>
    %broadcast_in_dim3A_60 = vector.shape_cast %reduce_min3A_59 : vector<512xi32> to vector<1x512xi32>
    %eq3A_61 = vector.broadcast %broadcast_in_dim3A_60 : vector<1x512xi32> to vector<1024x512xi32>
    %eq3A_62 = arith.cmpi eq, %iota3A, %eq3A_61 : vector<1024x512xi32>
    %jit3A_63 = arith.constant 0x7F800000 : f32
    %broadcast_in_dim3A_64 = vector.broadcast %jit3A_63 : f32 to vector<1024x512xf32>
    %select_n3A_65 = arith.select %eq3A_62, %broadcast_in_dim3A_64, %select_n3A_49 : vector<1024x512xi1>, vector<1024x512xf32>
    %reduce_min3A_66 = arith.constant dense<0x7F800000> : vector<512xf32>
    %reduce_min3A_67 = vector.multi_reduction <minimumf>, %select_n3A_65, %reduce_min3A_66 [0] : vector<1024x512xf32> to vector<512xf32>
    %broadcast_in_dim3A_68 = vector.shape_cast %reduce_min3A_67 : vector<512xf32> to vector<1x512xf32>
    %eq3A_69 = vector.broadcast %broadcast_in_dim3A_68 : vector<1x512xf32> to vector<1024x512xf32>
    %eq3A_70 = arith.cmpf oeq, %select_n3A_65, %eq3A_69 : vector<1024x512xf32>
    %jit3A_71 = arith.constant 1073741824 : i32
    %broadcast_in_dim3A_72 = vector.broadcast %jit3A_71 : i32 to vector<1024x512xi32>
    %select_n3A_73 = arith.select %eq3A_70, %iota3A, %broadcast_in_dim3A_72 : vector<1024x512xi1>, vector<1024x512xi32>
    %reduce_min3A_74 = arith.constant dense<2147483647> : vector<512xi32>
    %reduce_min3A_75 = vector.multi_reduction <minsi>, %select_n3A_73, %reduce_min3A_74 [0] : vector<1024x512xi32> to vector<512xi32>
    %broadcast_in_dim3A_76 = vector.shape_cast %reduce_min3A_75 : vector<512xi32> to vector<1x512xi32>
    %eq3A_77 = vector.broadcast %broadcast_in_dim3A_76 : vector<1x512xi32> to vector<1024x512xi32>
    %eq3A_78 = arith.cmpi eq, %iota3A, %eq3A_77 : vector<1024x512xi32>
    %jit3A_79 = arith.constant 0x7F800000 : f32
    %broadcast_in_dim3A_80 = vector.broadcast %jit3A_79 : f32 to vector<1024x512xf32>
    %select_n3A_81 = arith.select %eq3A_78, %broadcast_in_dim3A_80, %select_n3A_65 : vector<1024x512xi1>, vector<1024x512xf32>
    %reduce_min3A_82 = arith.constant dense<0x7F800000> : vector<512xf32>
    %reduce_min3A_83 = vector.multi_reduction <minimumf>, %select_n3A_81, %reduce_min3A_82 [0] : vector<1024x512xf32> to vector<512xf32>
    %broadcast_in_dim3A_84 = vector.shape_cast %reduce_min3A_83 : vector<512xf32> to vector<1x512xf32>
    %eq3A_85 = vector.broadcast %broadcast_in_dim3A_84 : vector<1x512xf32> to vector<1024x512xf32>
    %eq3A_86 = arith.cmpf oeq, %select_n3A_81, %eq3A_85 : vector<1024x512xf32>
    %jit3A_87 = arith.constant 1073741824 : i32
    %broadcast_in_dim3A_88 = vector.broadcast %jit3A_87 : i32 to vector<1024x512xi32>
    %select_n3A_89 = arith.select %eq3A_86, %iota3A, %broadcast_in_dim3A_88 : vector<1024x512xi1>, vector<1024x512xi32>
    %reduce_min3A_90 = arith.constant dense<2147483647> : vector<512xi32>
    %reduce_min3A_91 = vector.multi_reduction <minsi>, %select_n3A_89, %reduce_min3A_90 [0] : vector<1024x512xi32> to vector<512xi32>
    %broadcast_in_dim3A_92 = vector.shape_cast %reduce_min3A_91 : vector<512xi32> to vector<1x512xi32>
    %eq3A_93 = vector.broadcast %broadcast_in_dim3A_92 : vector<1x512xi32> to vector<1024x512xi32>
    %eq3A_94 = arith.cmpi eq, %iota3A, %eq3A_93 : vector<1024x512xi32>
    %jit3A_95 = arith.constant 0x7F800000 : f32
    %broadcast_in_dim3A_96 = vector.broadcast %jit3A_95 : f32 to vector<1024x512xf32>
    %select_n3A_97 = arith.select %eq3A_94, %broadcast_in_dim3A_96, %select_n3A_81 : vector<1024x512xi1>, vector<1024x512xf32>
    %reduce_min3A_98 = arith.constant dense<0x7F800000> : vector<512xf32>
    %reduce_min3A_99 = vector.multi_reduction <minimumf>, %select_n3A_97, %reduce_min3A_98 [0] : vector<1024x512xf32> to vector<512xf32>
    %broadcast_in_dim3A_100 = vector.shape_cast %reduce_min3A_99 : vector<512xf32> to vector<1x512xf32>
    %eq3A_101 = vector.broadcast %broadcast_in_dim3A_100 : vector<1x512xf32> to vector<1024x512xf32>
    %eq3A_102 = arith.cmpf oeq, %select_n3A_97, %eq3A_101 : vector<1024x512xf32>
    %jit3A_103 = arith.constant 1073741824 : i32
    %broadcast_in_dim3A_104 = vector.broadcast %jit3A_103 : i32 to vector<1024x512xi32>
    %select_n3A_105 = arith.select %eq3A_102, %iota3A, %broadcast_in_dim3A_104 : vector<1024x512xi1>, vector<1024x512xi32>
    %reduce_min3A_106 = arith.constant dense<2147483647> : vector<512xi32>
    %reduce_min3A_107 = vector.multi_reduction <minsi>, %select_n3A_105, %reduce_min3A_106 [0] : vector<1024x512xi32> to vector<512xi32>
    %broadcast_in_dim3A_108 = vector.shape_cast %reduce_min3A_107 : vector<512xi32> to vector<1x512xi32>
    %eq3A_109 = vector.broadcast %broadcast_in_dim3A_108 : vector<1x512xi32> to vector<1024x512xi32>
    %eq3A_110 = arith.cmpi eq, %iota3A, %eq3A_109 : vector<1024x512xi32>
    %jit3A_111 = arith.constant 0x7F800000 : f32
    %broadcast_in_dim3A_112 = vector.broadcast %jit3A_111 : f32 to vector<1024x512xf32>
    %select_n3A_113 = arith.select %eq3A_110, %broadcast_in_dim3A_112, %select_n3A_97 : vector<1024x512xi1>, vector<1024x512xf32>
    %reduce_min3A_114 = arith.constant dense<0x7F800000> : vector<512xf32>
    %reduce_min3A_115 = vector.multi_reduction <minimumf>, %select_n3A_113, %reduce_min3A_114 [0] : vector<1024x512xf32> to vector<512xf32>
    %broadcast_in_dim3A_116 = vector.shape_cast %reduce_min3A_115 : vector<512xf32> to vector<1x512xf32>
    %eq3A_117 = vector.broadcast %broadcast_in_dim3A_116 : vector<1x512xf32> to vector<1024x512xf32>
    %eq3A_118 = arith.cmpf oeq, %select_n3A_113, %eq3A_117 : vector<1024x512xf32>
    %jit3A_119 = arith.constant 1073741824 : i32
    %broadcast_in_dim3A_120 = vector.broadcast %jit3A_119 : i32 to vector<1024x512xi32>
    %select_n3A_121 = arith.select %eq3A_118, %iota3A, %broadcast_in_dim3A_120 : vector<1024x512xi1>, vector<1024x512xi32>
    %reduce_min3A_122 = arith.constant dense<2147483647> : vector<512xi32>
    %reduce_min3A_123 = vector.multi_reduction <minsi>, %select_n3A_121, %reduce_min3A_122 [0] : vector<1024x512xi32> to vector<512xi32>
    %broadcast_in_dim3A_124 = vector.shape_cast %reduce_min3A_123 : vector<512xi32> to vector<1x512xi32>
    %eq3A_125 = vector.broadcast %broadcast_in_dim3A_124 : vector<1x512xi32> to vector<1024x512xi32>
    %eq3A_126 = arith.cmpi eq, %iota3A, %eq3A_125 : vector<1024x512xi32>
    %jit3A_127 = arith.constant 0x7F800000 : f32
    %broadcast_in_dim3A_128 = vector.broadcast %jit3A_127 : f32 to vector<1024x512xf32>
    %select_n3A_129 = arith.select %eq3A_126, %broadcast_in_dim3A_128, %select_n3A_113 : vector<1024x512xi1>, vector<1024x512xf32>
    %reduce_min3A_130 = arith.constant dense<0x7F800000> : vector<512xf32>
    %reduce_min3A_131 = vector.multi_reduction <minimumf>, %select_n3A_129, %reduce_min3A_130 [0] : vector<1024x512xf32> to vector<512xf32>
    %broadcast_in_dim3A_132 = vector.shape_cast %reduce_min3A_131 : vector<512xf32> to vector<1x512xf32>
    %eq3A_133 = vector.broadcast %broadcast_in_dim3A_132 : vector<1x512xf32> to vector<1024x512xf32>
    %eq3A_134 = arith.cmpf oeq, %select_n3A_129, %eq3A_133 : vector<1024x512xf32>
    %jit3A_135 = arith.constant 1073741824 : i32
    %broadcast_in_dim3A_136 = vector.broadcast %jit3A_135 : i32 to vector<1024x512xi32>
    %select_n3A_137 = arith.select %eq3A_134, %iota3A, %broadcast_in_dim3A_136 : vector<1024x512xi1>, vector<1024x512xi32>
    %reduce_min3A_138 = arith.constant dense<2147483647> : vector<512xi32>
    %reduce_min3A_139 = vector.multi_reduction <minsi>, %select_n3A_137, %reduce_min3A_138 [0] : vector<1024x512xi32> to vector<512xi32>
    %broadcast_in_dim3A_140 = vector.shape_cast %reduce_min3A_139 : vector<512xi32> to vector<1x512xi32>
    %concatenate3A = tpu.concatenate %slice3A, %broadcast_in_dim3A_44, %broadcast_in_dim3A_60, %broadcast_in_dim3A_76, %broadcast_in_dim3A_92, %broadcast_in_dim3A_108, %broadcast_in_dim3A_124, %broadcast_in_dim3A_140 in 0 : vector<1x512xi32>, vector<1x512xi32>, vector<1x512xi32>, vector<1x512xi32>, vector<1x512xi32>, vector<1x512xi32>, vector<1x512xi32>, vector<1x512xi32> -> vector<8x512xi32>
    %swap3A_141 = arith.constant 0 : index
    %swap3A_142 = arith.constant 0 : index
    %swap3A_143 = vector.load %arg5[%swap3A_141, %swap3A_142] : memref<8x512xi32, #tpu.memory_space<vmem>>, vector<8x512xi32>
    tpu.vector_store %arg5[%swap3A_141, %swap3A_142], %concatenate3A {strides = array<i32>} : memref<8x512xi32, #tpu.memory_space<vmem>>, vector<8x512xi32>,
    return
  }
  func.func @transform_0(%arg0: i32) -> (i32, i32) {
    %c0_i32 = arith.constant 0 : i32
    %c0_i32_0 = arith.constant 0 : i32
    %c0_i32_1 = arith.constant 0 : i32
    return %c0_i32, %c0_i32_0 : i32, i32
  }
  func.func @transform_1(%arg0: i32) -> (i32, i32) {
    %c0_i32 = arith.constant 0 : i32
    %c0_i32_0 = arith.constant 0 : i32
    return %arg0, %c0_i32 : i32, i32
  }
  func.func @transform_2(%arg0: i32) -> (i32, i32) {
    %c0_i32 = arith.constant 0 : i32
    %c0_i32_0 = arith.constant 0 : i32
    %c0_i32_1 = arith.constant 0 : i32
    return %c0_i32, %c0_i32_0 : i32, i32
  }
  func.func @transform_3(%arg0: i32) -> (i32, i32) {
    %c0_i32 = arith.constant 0 : i32
    %c0_i32_0 = arith.constant 0 : i32
    return %c0_i32, %arg0 : i32, i32
  }
  func.func @transform_4(%arg0: i32) -> (i32, i32) {
    %c0_i32 = arith.constant 0 : i32
    %c0_i32_0 = arith.constant 0 : i32
    return %c0_i32, %arg0 : i32, i32
  }
}

module attributes {stable_mosaic.version = 14 : i64} {
  func.func @_embed_body(%arg0: i32, %arg1: memref<256x1024xf32, #tpu.memory_space<vmem>>, %arg2: memref<1024x128xf32, #tpu.memory_space<vmem>>, %arg3: memref<128x128xf32, #tpu.memory_space<vmem>>, %arg4: memref<256x128xf32, #tpu.memory_space<vmem>>) attributes {dimension_semantics = [#tpu.dimension_semantics<arbitrary>], iteration_bounds = array<i64: 4>, scalar_prefetch = 0 : i64, scratch_operands = 0 : i64, tpu.core_type = #tpu.core_type<tc>, window_params = [{transform_indices = @transform_0, window_bounds = array<i64: 256, 1024>}, {pipeline_mode = #tpu.pipeline_mode<synchronous>, transform_indices = @transform_1, window_bounds = array<i64: 1024, 128>}, {pipeline_mode = #tpu.pipeline_mode<synchronous>, transform_indices = @transform_2, window_bounds = array<i64: 128, 128>}, {transform_indices = @transform_3, window_bounds = array<i64: 256, 128>}]} {
    %get3A = arith.constant 0 : index
    %get3A_0 = arith.constant 0 : index
    %get3A_1 = vector.load %arg1[%get3A, %get3A_0] : memref<256x1024xf32, #tpu.memory_space<vmem>>, vector<256x1024xf32>
    %slice3A = vector.extract_strided_slice %get3A_1 {offsets = [0, 0], sizes = [256, 128], strides = [1, 1]} : vector<256x1024xf32> to vector<256x128xf32>
    %slice3A_2 = vector.extract_strided_slice %get3A_1 {offsets = [0, 128], sizes = [256, 128], strides = [1, 1]} : vector<256x1024xf32> to vector<256x128xf32>
    %add3A = arith.addf %slice3A, %slice3A_2 : vector<256x128xf32>
    %slice3A_3 = vector.extract_strided_slice %get3A_1 {offsets = [0, 256], sizes = [256, 128], strides = [1, 1]} : vector<256x1024xf32> to vector<256x128xf32>
    %add3A_4 = arith.addf %add3A, %slice3A_3 : vector<256x128xf32>
    %slice3A_5 = vector.extract_strided_slice %get3A_1 {offsets = [0, 384], sizes = [256, 128], strides = [1, 1]} : vector<256x1024xf32> to vector<256x128xf32>
    %add3A_6 = arith.addf %add3A_4, %slice3A_5 : vector<256x128xf32>
    %slice3A_7 = vector.extract_strided_slice %get3A_1 {offsets = [0, 512], sizes = [256, 128], strides = [1, 1]} : vector<256x1024xf32> to vector<256x128xf32>
    %add3A_8 = arith.addf %add3A_6, %slice3A_7 : vector<256x128xf32>
    %slice3A_9 = vector.extract_strided_slice %get3A_1 {offsets = [0, 640], sizes = [256, 128], strides = [1, 1]} : vector<256x1024xf32> to vector<256x128xf32>
    %add3A_10 = arith.addf %add3A_8, %slice3A_9 : vector<256x128xf32>
    %slice3A_11 = vector.extract_strided_slice %get3A_1 {offsets = [0, 768], sizes = [256, 128], strides = [1, 1]} : vector<256x1024xf32> to vector<256x128xf32>
    %add3A_12 = arith.addf %add3A_10, %slice3A_11 : vector<256x128xf32>
    %slice3A_13 = vector.extract_strided_slice %get3A_1 {offsets = [0, 896], sizes = [256, 128], strides = [1, 1]} : vector<256x1024xf32> to vector<256x128xf32>
    %add3A_14 = arith.addf %add3A_12, %slice3A_13 : vector<256x128xf32>
    %slice3A_15 = vector.extract_strided_slice %add3A_14 {offsets = [0, 0], sizes = [256, 8], strides = [1, 1]} : vector<256x128xf32> to vector<256x8xf32>
    %slice3A_16 = vector.extract_strided_slice %add3A_14 {offsets = [0, 8], sizes = [256, 8], strides = [1, 1]} : vector<256x128xf32> to vector<256x8xf32>
    %add3A_17 = arith.addf %slice3A_15, %slice3A_16 : vector<256x8xf32>
    %slice3A_18 = vector.extract_strided_slice %add3A_14 {offsets = [0, 16], sizes = [256, 8], strides = [1, 1]} : vector<256x128xf32> to vector<256x8xf32>
    %add3A_19 = arith.addf %add3A_17, %slice3A_18 : vector<256x8xf32>
    %slice3A_20 = vector.extract_strided_slice %add3A_14 {offsets = [0, 24], sizes = [256, 8], strides = [1, 1]} : vector<256x128xf32> to vector<256x8xf32>
    %add3A_21 = arith.addf %add3A_19, %slice3A_20 : vector<256x8xf32>
    %slice3A_22 = vector.extract_strided_slice %add3A_14 {offsets = [0, 32], sizes = [256, 8], strides = [1, 1]} : vector<256x128xf32> to vector<256x8xf32>
    %add3A_23 = arith.addf %add3A_21, %slice3A_22 : vector<256x8xf32>
    %slice3A_24 = vector.extract_strided_slice %add3A_14 {offsets = [0, 40], sizes = [256, 8], strides = [1, 1]} : vector<256x128xf32> to vector<256x8xf32>
    %add3A_25 = arith.addf %add3A_23, %slice3A_24 : vector<256x8xf32>
    %slice3A_26 = vector.extract_strided_slice %add3A_14 {offsets = [0, 48], sizes = [256, 8], strides = [1, 1]} : vector<256x128xf32> to vector<256x8xf32>
    %add3A_27 = arith.addf %add3A_25, %slice3A_26 : vector<256x8xf32>
    %slice3A_28 = vector.extract_strided_slice %add3A_14 {offsets = [0, 56], sizes = [256, 8], strides = [1, 1]} : vector<256x128xf32> to vector<256x8xf32>
    %add3A_29 = arith.addf %add3A_27, %slice3A_28 : vector<256x8xf32>
    %slice3A_30 = vector.extract_strided_slice %add3A_14 {offsets = [0, 64], sizes = [256, 8], strides = [1, 1]} : vector<256x128xf32> to vector<256x8xf32>
    %add3A_31 = arith.addf %add3A_29, %slice3A_30 : vector<256x8xf32>
    %slice3A_32 = vector.extract_strided_slice %add3A_14 {offsets = [0, 72], sizes = [256, 8], strides = [1, 1]} : vector<256x128xf32> to vector<256x8xf32>
    %add3A_33 = arith.addf %add3A_31, %slice3A_32 : vector<256x8xf32>
    %slice3A_34 = vector.extract_strided_slice %add3A_14 {offsets = [0, 80], sizes = [256, 8], strides = [1, 1]} : vector<256x128xf32> to vector<256x8xf32>
    %add3A_35 = arith.addf %add3A_33, %slice3A_34 : vector<256x8xf32>
    %slice3A_36 = vector.extract_strided_slice %add3A_14 {offsets = [0, 88], sizes = [256, 8], strides = [1, 1]} : vector<256x128xf32> to vector<256x8xf32>
    %add3A_37 = arith.addf %add3A_35, %slice3A_36 : vector<256x8xf32>
    %slice3A_38 = vector.extract_strided_slice %add3A_14 {offsets = [0, 96], sizes = [256, 8], strides = [1, 1]} : vector<256x128xf32> to vector<256x8xf32>
    %add3A_39 = arith.addf %add3A_37, %slice3A_38 : vector<256x8xf32>
    %slice3A_40 = vector.extract_strided_slice %add3A_14 {offsets = [0, 104], sizes = [256, 8], strides = [1, 1]} : vector<256x128xf32> to vector<256x8xf32>
    %add3A_41 = arith.addf %add3A_39, %slice3A_40 : vector<256x8xf32>
    %slice3A_42 = vector.extract_strided_slice %add3A_14 {offsets = [0, 112], sizes = [256, 8], strides = [1, 1]} : vector<256x128xf32> to vector<256x8xf32>
    %add3A_43 = arith.addf %add3A_41, %slice3A_42 : vector<256x8xf32>
    %slice3A_44 = vector.extract_strided_slice %add3A_14 {offsets = [0, 120], sizes = [256, 8], strides = [1, 1]} : vector<256x128xf32> to vector<256x8xf32>
    %add3A_45 = arith.addf %add3A_43, %slice3A_44 : vector<256x8xf32>
    %slice3A_46 = vector.extract_strided_slice %add3A_45 {offsets = [0, 0], sizes = [256, 4], strides = [1, 1]} : vector<256x8xf32> to vector<256x4xf32>
    %slice3A_47 = vector.extract_strided_slice %add3A_45 {offsets = [0, 4], sizes = [256, 4], strides = [1, 1]} : vector<256x8xf32> to vector<256x4xf32>
    %add3A_48 = arith.addf %slice3A_46, %slice3A_47 : vector<256x4xf32>
    %slice3A_49 = vector.extract_strided_slice %add3A_48 {offsets = [0, 0], sizes = [256, 2], strides = [1, 1]} : vector<256x4xf32> to vector<256x2xf32>
    %slice3A_50 = vector.extract_strided_slice %add3A_48 {offsets = [0, 2], sizes = [256, 2], strides = [1, 1]} : vector<256x4xf32> to vector<256x2xf32>
    %add3A_51 = arith.addf %slice3A_49, %slice3A_50 : vector<256x2xf32>
    %slice3A_52 = vector.extract_strided_slice %add3A_51 {offsets = [0, 0], sizes = [256, 1], strides = [1, 1]} : vector<256x2xf32> to vector<256x1xf32>
    %slice3A_53 = vector.extract_strided_slice %add3A_51 {offsets = [0, 1], sizes = [256, 1], strides = [1, 1]} : vector<256x2xf32> to vector<256x1xf32>
    %add3A_54 = arith.addf %slice3A_52, %slice3A_53 : vector<256x1xf32>
    %add3A_55 = arith.constant 9.99999997E-7 : f32
    %add3A_56 = vector.broadcast %add3A_55 : f32 to vector<256x1xf32>
    %add3A_57 = arith.addf %add3A_54, %add3A_56 : vector<256x1xf32>
    %reciprocal3A = tpu.reciprocal %add3A_57 : vector<256x1xf32> -> vector<256x1xf32>
    %mul3A = vector.broadcast %reciprocal3A : vector<256x1xf32> to vector<256x1024xf32>
    %mul3A_58 = arith.mulf %get3A_1, %mul3A : vector<256x1024xf32>
    %get3A_59 = arith.constant 0 : index
    %get3A_60 = arith.constant 0 : index
    %get3A_61 = vector.load %arg2[%get3A_59, %get3A_60] : memref<1024x128xf32, #tpu.memory_space<vmem>>, vector<1024x128xf32>
    %dot_general3A = arith.constant dense<0.000000e+00> : vector<256x128xf32>
    %dot_general3A_62 = tpu.matmul %mul3A_58, %get3A_61, %dot_general3A {dimension_numbers = #tpu.dot_dimension_numbers<[1], [0], [0], [1], [0, 0, 1, 1], [], []>, transpose_lhs_hint = false} : vector<256x1024xf32>, vector<1024x128xf32>, vector<256x128xf32> -> vector<256x128xf32>
    %get3A_63 = arith.constant 0 : index
    %get3A_64 = arith.constant 0 : index
    %get3A_65 = vector.load %arg3[%get3A_63, %get3A_64] : memref<128x128xf32, #tpu.memory_space<vmem>>, vector<128x128xf32>
    %dot_general3A_66 = arith.constant dense<0.000000e+00> : vector<256x128xf32>
    %dot_general3A_67 = tpu.matmul %dot_general3A_62, %get3A_65, %dot_general3A_66 {dimension_numbers = #tpu.dot_dimension_numbers<[1], [0], [0], [1], [0, 0, 1, 1], [], []>, transpose_lhs_hint = false} : vector<256x128xf32>, vector<128x128xf32>, vector<256x128xf32> -> vector<256x128xf32>
    %swap3A = arith.constant 0 : index
    %swap3A_68 = arith.constant 0 : index
    %swap3A_69 = vector.load %arg4[%swap3A, %swap3A_68] : memref<256x128xf32, #tpu.memory_space<vmem>>, vector<256x128xf32>
    tpu.vector_store %arg4[%swap3A, %swap3A_68], %dot_general3A_67 {strides = array<i32>} : memref<256x128xf32, #tpu.memory_space<vmem>>, vector<256x128xf32>,
    return
  }
  func.func @transform_0(%arg0: i32) -> (i32, i32) {
    %c0_i32 = arith.constant 0 : i32
    %c0_i32_0 = arith.constant 0 : i32
    return %arg0, %c0_i32 : i32, i32
  }
  func.func @transform_1(%arg0: i32) -> (i32, i32) {
    %c0_i32 = arith.constant 0 : i32
    %c0_i32_0 = arith.constant 0 : i32
    %c0_i32_1 = arith.constant 0 : i32
    return %c0_i32, %c0_i32_0 : i32, i32
  }
  func.func @transform_2(%arg0: i32) -> (i32, i32) {
    %c0_i32 = arith.constant 0 : i32
    %c0_i32_0 = arith.constant 0 : i32
    %c0_i32_1 = arith.constant 0 : i32
    return %c0_i32, %c0_i32_0 : i32, i32
  }
  func.func @transform_3(%arg0: i32) -> (i32, i32) {
    %c0_i32 = arith.constant 0 : i32
    %c0_i32_0 = arith.constant 0 : i32
    return %arg0, %c0_i32 : i32, i32
  }
}

</mosaic_0001>

<sc_bundles>
// kernel: kernel.5.cloned.1.call-start
scs
__scs_entry_jumppad:
0x0: {  	(pc) =	sbr.rel $0x88, $3  }
0x1: {  	(tag) =	ssettag $0x0;
	lr =	simm.s32 $0x1  }
0x2: {  	[smem:$0x3F9D] =	sst lr;
	_ =	strace $0xD0000000  }
0x3: {  	_ = 	snop  }
0x4: {  	_ = 	snop  }
0x5: {  	_ = 	snop  }
0x6: {  	_ = 	snop  }
0x7: {  	_ = 	snop  }
__scs_overlays_trampoline_lowered:
0x8: {  	[smem:$0x3FAC] =	sst s0  }
0x9: {  	[smem:$0x3FAD] =	sst s1  }
0xa: {  	[smem:$0x3FAE] =	sst s2  }
0xb: {  	[smem:$0x3FAF] =	sst s3  }
0xc: {  	[smem:$0x3FB0] =	sst s4  }
0xd: {  	[smem:$0x3FB1] =	sst s5  }
0xe: {  	[smem:$0x3FB2] =	sst s6  }
0xf: {  	[smem:$0x3FB3] =	sst s7  }
0x10: {  	[smem:$0x3FB4] =	sst s8  }
0x11: {  	[smem:$0x3FB5] =	sst s9;
	s0 =	simm.s32 @!p0 $0x0  }
0x12: {  	s1 =	sld [smem:$0x3F9B];
	s0 =	simm.s32 @p0 $0x1  }
0x13: {  	[smem:$0x3FB6] =	sst s0;
	s0 =	simm.s32 @!p1 $0x0  }
0x14: {  	s2 =	sld [smem:$0x3F9A];
	s0 =	simm.s32 @p1 $0x1  }
0x15: {  	[smem:$0x3FB7] =	sst s0;
	s0 =	simm.s32 @!p2 $0x0  }
0x16: {  	s3 =	sld [smem:$0x3FDB];
	s0 =	simm.s32 @p2 $0x1  }
0x17: {  	s4 =	simm.s32 $0x1BF5;
	[smem:$0x3FB9] =	sst s0  }
0x18: {  	s0 =	sld [smem:$0x3F9C];
	_ =	swait.ge [sflag:s4], $0x0  }
0x19: {  	s7 =	sld [smem:$0x3F9D]  }
0x1a: {  	s8 =	sadd.s32 $0xFFFFE003, lr  }
0x1b: {  	s9 =	sadd.s32 $0xFFFFFEF7, lr;
	s5 =	simm.s32 $0xFFFFFFFF;
	p2 =	slt.u32 s8, $0xFFFFF086  }
0x1c: {  	p1 =	slt.u32 s9, $0xF7A;
	s5 =	simm.s32 @!p2 $0x0  }
0x1d: {  	s5 =	simm.s32 @p1 $0x1;
	p0 =	seq.s32 s7, s2  }
0x1e: {  	s7 =	smul.u32 @!p0 $0xF7A, s2;
	p2 =	seq.s32 @!p0 s5, $0x0  }
0x1f: {  	s9 =	smul.u32 $0xF7A, s1;
	s8 =	simm.s32 @!p0 $0x1BF5;
	p2 =	por !p2, p0  }
0x20: {  	[sflag:s8] =	ssyncset.s32 @!p0 $0xFFFFF086;
	s6 =	sadd.s32 @!p0 s3, s7;
	s7 =	simm.s32 @!p0 $0x108  }
0x21: {  	s3 =	sadd.s32 s3, s9;
	s6 =	sadd.s32 @!p0 $0x88, s6;
	s7 =	simm.s32 @p2 $0x1082  }
0x22: {  	[simem:s7], [sflag:s8] =	dma.local @!p0 [hbm:s6], $0xF7A  }
0x23: {  	s9 =	sor.u32 $0xD0000000, s2;
	s6 =	simm.s32 $0x108;
	_ =	swait.ge @!p0 [sflag:s8], $0x0  }
0x24: {  	s3 =	sadd.s32 $0x88, s3;
	s6 =	simm.s32 @!p1 $0x1082;
	[sflag:s4] =	ssyncset.s32 $0xFFFFF086  }
0x25: {  	[simem:s6], [sflag:s4] =	dma.local [hbm:s3], $0xF7A  }
0x26: {  	[smem:$0x3F9D] =	sst s1;
	(tag) =	ssettag s2;
	_ =	strace s9  }
0x27: {  	s1 =	sld [smem:$0x3FAD]  }
0x28: {  	s2 =	sld [smem:$0x3FAE]  }
0x29: {  	s4 =	sld [smem:$0x3FB0]  }
0x2a: {  	p0 =	seq.s32 s5, $0x0;
	s5 =	sld [smem:$0x3FB1]  }
0x2b: {  	s6 =	sld [smem:$0x3FB2]  }
0x2c: {  	s7 =	sld [smem:$0x3FB3]  }
0x2d: {  	s3 =	simm.s32 $0x108;
	s8 =	sld [smem:$0x3FB4]  }
0x2e: {  	s3 =	simm.s32 @!p0 $0x1082;
	s9 =	sld [smem:$0x3FB5]  }
0x2f: {  	lr =	sadd.s32 s0, s3;
	s0 =	sld [smem:$0x3FAC]  }
0x30: {  	s3 =	sld [smem:$0x3FAF]  }
0x31: {  	[smem:$0x3FB8] =	sst s10  }
0x32: {  	s10 =	sld [smem:$0x3FB6];
	_ =	sdelay $0x3  }
0x33: {  	p0 =	seq.s32 s10, $0x1;
	s10 =	sld [smem:$0x3FB8];
	_ =	sdelay $0x3  }
0x34: {  	[smem:$0x3FB8] =	sst s10  }
0x35: {  	s10 =	sld [smem:$0x3FB7];
	_ =	sdelay $0x3  }
0x36: {  	p1 =	seq.s32 s10, $0x1;
	s10 =	sld [smem:$0x3FB8];
	_ =	sdelay $0x3  }
0x37: {  	[smem:$0x3FB8] =	sst s10  }
0x38: {  	s10 =	sld [smem:$0x3FB9]  }
0x39: {  	_ = 	snop;
	(pc) =	sbr.ind lr, $3  }
0x3a: {  	_ = 	snop  }
0x3b: {  	_ = 	snop  }
0x3c: {  	p2 =	seq.s32 s10, $0x1;
	s10 =	sld [smem:$0x3FB8]  }
0x3d: {  	_ =	shalt  }
0x3e: {  	_ =	shalt  }
0x3f: {  	_ =	shalt  }
0x40: {  	_ =	shalt  }
0x41: {  	_ =	shalt  }
0x42: {  	_ =	shalt  }
0x43: {  	_ =	shalt  }
0x44: {  	_ =	shalt  }
0x45: {  	_ =	shalt  }
0x46: {  	_ =	shalt  }
0x47: {  	_ =	shalt  }
0x48: {  	_ =	shalt  }
0x49: {  	_ =	shalt  }
0x4a: {  	_ =	shalt  }
0x4b: {  	_ =	shalt  }
0x4c: {  	_ =	shalt  }
0x4d: {  	_ =	shalt  }
0x4e: {  	_ =	shalt  }
0x4f: {  	_ =	shalt  }
0x50: {  	_ =	shalt  }
0x51: {  	_ =	shalt  }
0x52: {  	_ =	shalt  }
0x53: {  	_ =	shalt  }
0x54: {  	_ =	shalt  }
0x55: {  	_ =	shalt  }
0x56: {  	_ =	shalt  }
0x57: {  	_ =	shalt  }
0x58: {  	_ =	shalt  }
0x59: {  	_ =	shalt  }
0x5a: {  	_ =	shalt  }
0x5b: {  	_ =	shalt  }
0x5c: {  	_ =	shalt  }
0x5d: {  	_ =	shalt  }
0x5e: {  	_ =	shalt  }
0x5f: {  	_ =	shalt  }
0x60: {  	_ =	shalt  }
0x61: {  	_ =	shalt  }
0x62: {  	_ =	shalt  }
0x63: {  	_ =	shalt  }
0x64: {  	_ =	shalt  }
0x65: {  	_ =	shalt  }
0x66: {  	_ =	shalt  }
0x67: {  	_ =	shalt  }
0x68: {  	_ =	shalt  }
0x69: {  	_ =	shalt  }
0x6a: {  	_ =	shalt  }
0x6b: {  	_ =	shalt  }
0x6c: {  	_ =	shalt  }
0x6d: {  	_ =	shalt  }
0x6e: {  	_ =	shalt  }
0x6f: {  	_ =	shalt  }
0x70: {  	_ =	shalt  }
0x71: {  	_ =	shalt  }
0x72: {  	_ =	shalt  }
0x73: {  	_ =	shalt  }
0x74: {  	_ =	shalt  }
0x75: {  	_ =	shalt  }
0x76: {  	_ =	shalt  }
0x77: {  	_ =	shalt  }
0x78: {  	_ =	shalt  }
0x79: {  	_ =	shalt  }
0x7a: {  	_ =	shalt  }
0x7b: {  	_ =	shalt  }
0x7c: {  	_ =	shalt  }
0x7d: {  	_ =	shalt  }
0x7e: {  	_ =	shalt  }
0x7f: {  	_ =	shalt  }
0x80: {  	_ =	shalt  }
0x81: {  	_ =	shalt  }
0x82: {  	_ =	shalt  }
0x83: {  	_ =	shalt  }
0x84: {  	_ =	shalt  }
0x85: {  	_ =	shalt  }
0x86: {  	_ =	shalt  }
0x87: {  	_ =	shalt  }
.Lfunc_end0:
.L_simem_size_0:
called_computation_lowered:
.L_overlay_start_0:
0x88: {  	s2 =	sld [smem:$0x3FD9]  }
0x89: {  	s3 =	sld [smem:$0x3FFE];
	_ =	sdelay $0x1  }
0x8a: {  	s1 =	srdreg.scid  }
0x8b: {  	s0 =	sand.u32 $0x1, s1  }
0x8c: {  	s14 =	sshll.u32 s0, $0xA;
	s2 =	sadd.s32 s3, s2  }
0x8d: {  	s2 =	sadd.s32 s2, s14  }
0x8e: {  	[smem:$0x3FC4] =	sst s2  }
0x8f: {  	_ = 	snop  }
0x90: {  	s2 =	sld [smem:$0x3FD0];
	_ =	sdelay $0x2  }
0x91: {  	s15 =	simm.s32 $0xA;
	s4 =	simm.s32 $0x10  }
0x92: {  	[smem:s4], [sflag:s15] =	dma.local [hbm:s2], $0x1  }
0x93: {  	_ =	swait.eq [sflag:s15], $0x1  }
0x94: {  	[sflag:s15] =	ssyncset.done $0x0  }
0x95: {  	[sflag:s15] =	ssyncadd.s32 $0xFFFFFFFF  }
0x96: {  	s16 =	sld [smem:$0x12];
	(tm) =	ssettm $0x1  }
0x97: {  	s17 =	sld [smem:$0x3FFB];
	_ =	sdelay $0x3  }
0x98: {  	_ =	strace s17  }
0x99: {  	s3 =	sld [smem:$0x3FFC];
	_ =	sdelay $0x3  }
0x9a: {  	_ =	strace s3  }
0x9b: {  	s3 =	sld [smem:$0x3FFD];
	_ =	sdelay $0x3  }
0x9c: {  	_ =	strace s3  }
0x9d: {  	_ =	strace $0x8FFFFFFF  }
0x9e: {  	s18 =	sld [smem:$0x3FDB];
	_ =	sdelay $0x1  }
0x9f: {  	s19 =	simm.s32 $_scs_section_size  }
0xa0: {  	s5 =	simm.s32 $_size__tile_overlayer_lowered;
	s6 =	simm.s32 $_tile_overlayer_lowered  }
0xa1: {  	s22 =	simm.s32 $0x1BFF;
	s21 =	sshll.u32 s6, $0x1;
	s3 =	sadd.s32 s19, s18  }
0xa2: {  	s7 =	simm.s32 $0x0;
	s20 =	sshll.u32 s5, $0x1;
	s5 =	sadd.s32 s21, s3  }
0xa3: {  	[timem:s7], [sflag:s22] =	dma.local [hbm:s5], s20  }
0xa4: {  	_ =	swait.ge [sflag:s22], s20  }
0xa5: {  	s4 =	ssub.s32 $0x0, s20;
	[sflag:s22] =	ssyncset.done $0x0  }
0xa6: {  	[sflag:s22] =	ssyncadd.s32 s4;
	_ =	sdelay $0x1  }
0xa7: {  	s23 =	simm.s32 $0x1B8B  }
0xa8: {  	_ =	swait.ge [sflag:s23], $0x1  }
0xa9: {  	[sflag:s23] =	ssyncset.done $0x0  }
0xaa: {  	s25 =	simm.s32 $0x1B8E;
	s24 =	sld [smem:$0x3FFE];
	[sflag:s23] =	ssyncadd.s32 $0xFFFFFFFF  }
0xab: {  	s26 =	simm.s32 $execute0_lowered;
	[smem:$0x3FD2] =	sst s25  }
0xac: {  	s5 =	sshll.u32 s26, $0x1;
	_ =	strace $0x80000046;
	[dreg:$0x1] =	wrdreg $0xFFFFFFFF  }
0xad: {  	s28 =	simm.s32 $_size_execute0_lowered;
	s3 =	sadd.s32 s3, s5;
	[dreg:$0x0] =	wrdreg $0x0  }
0xae: {  	s5 =	sshll.u32 s28, $0x1;
	[dreg:$0x2] =	wrdreg s3  }
0xaf: {  	[dreg:$0x3] =	wrdreg s5  }
0xb0: {  	[dreg:$0x4] =	wrdreg $0xC0  }
0xb1: {  	_ =	task [dreg:s7], $0x5FFFF  }
0xb2: {  	[dreg:$0x1] =	wrdreg $0xFFFFFFFF  }
0xb3: {  	[dreg:$0x0] =	wrdreg $0x60  }
0xb4: {  	[dreg:$0x2] =	wrdreg s24  }
0xb5: {  	[dreg:$0x3] =	wrdreg s16  }
0xb6: {  	[dreg:$0x4] =	wrdreg $0x9  }
0xb7: {  	_ =	task.clear_ibuf [dreg:s7], $0x5FFFF;
	_ =	strace $0x90000046  }
0xb8: {  	s29 =	simm.s32 $0x9;
	_ =	strace $0x80000048  }
0xb9: {  	_ =	swait.ge [sflag:s29], $0x1  }
0xba: {  	[sflag:s29] =	ssyncadd.s32 $0xFFFFFFFF  }
0xbb: {  	_ =	strace $0x90000048  }
0xbc: {  	_ =	sfence  }
0xbd: {  	s30 =	sld [smem:$0x0];
	_ =	sdelay $0x2  }
0xbe: {  	s31 =	sshll.u32 s1, $0xD;
	s1 =	sshrl.u32 s1, $0x2  }
0xbf: {  	s3 =	sand.u32 $0x4000, s31;
	s1 =	sadd.s32 s1, s30  }
0xc0: {  	s0 =	sor.u32 s3, s0;
	s1 =	sshll.u32 s1, $0x11  }
0xc1: {  	s0 =	sor.u32 s1, s0  }
0xc2: {  	s0 =	sadd.s32 $0x8F2B, s0  }
0xc3: {  	[sflag:s0] =	ssyncadd.remote.s32 $0x1  }
0xc4: {  	_ =	sfence.sel $0xFFFF  }
0xc5: {  	[dreg:$0x0] =	wrdreg $0xFFFFFFFF;
	(pc) =	sbr.abs _section_cstart, $3  }
0xc6: {  	[dreg:$0x1] =	wrdreg $0xFFFFFFFF  }
0xc7: {  	_ =	task.clear_ibuf [dreg:s7], $0x2FFFF;
	_ =	strace $0x9FFFFFFF  }
0xc8: {  	(tm) =	ssettm $0x7FFFFFFF  }
0xc9: {  	_ =	shalt  }
tec
execute0_lowered:
.L_overlay_start_1:
0x0: {  	(tag) =	ssettag $0x1  }
0x1: {  	v15 =	vlaneseq.u32;
	vm0 =	vcmask $0xB08;
	vm1 =	vcmask $0x300  }
0x2: {  	v1 =	vor.u32 $0x10, v15;
	v2 =	vor.u32 $0x20, v15;
	v3 =	vor.u32 $0x30, v15  }
0x3: {  	v4 =	vor.u32 $0x40, v15;
	v5 =	vor.u32 $0x50, v15;
	v6 =	vor.u32 $0x60, v15  }
0x4: {  	v7 =	vor.u32 $0x70, v15;
	v8 =	vor.u32 $0x80, v15;
	v9 =	vor.u32 $0x90, v15  }
0x5: {  	s1 =	srdreg.scid;
	s0 =	stileid.u32;
	v10 =	vor.u32 $0xA0, v15;
	v11 =	vor.u32 $0xB0, v15;
	v12 =	vor.u32 $0xC0, v15  }
0x6: {  	s5 =	sand.u32 $0x1, s1;
	s24 =	sshll.u32 s0, $0x1;
	v13 =	vor.u32 $0xD0, v15;
	vm0 =	vmor vm1, vm0;
	vm1 =	vcmask $0x1310  }
0x7: {  	v14 =	vor.u32 $0xE0, v15;
	s7 =	sor.u32 s5, s24;
	vm0 =	vmor vm0, vm1;
	vm1 =	vcmask $0x1B18  }
0x8: {  	v16 =	vor.u32 $0xF0, v15;
	s6 =	sshll.u32 s7, $0x8;
	vm0 =	vmor vm0, vm1;
	vm1 =	vcmask $0x2320  }
0x9: {  	v0 =	vor.u32 s6, v15;
	v1 =	vor.u32 s6, v1;
	v2 =	vor.u32 s6, v2  }
0xa: {  	s8 =	rddreg [dreg:$0x0];
	v3 =	vor.u32 s6, v3;
	v4 =	vor.u32 s6, v4;
	v0 =	vshrl.u32 v0, $0x3  }
0xb: {  	s2 =	rddreg [dreg:$0x1];
	v5 =	vor.u32 s6, v5;
	v6 =	vor.u32 s6, v6;
	v43 =	vshrl.u32 v1, $0x3;
	[tilespmem:$0x1FEA0] =	vst v0  }
0xc: {  	s3 =	simm.s32 $0x0;
	s1 =	rddreg [dreg:$0x2];
	v7 =	vor.u32 s6, v7;
	v8 =	vor.u32 s6, v8;
	v44 =	vshrl.u32 v2, $0x3;
	[tilespmem:$0x1FEB0] =	vst v43  }
0xd: {  	[smem:$0x7FF] =	sst s3;
	s4 =	sadd.s32 $0x1200, s8;
	s5 =	ssub.s32 $0x2, s5;
	v9 =	vor.u32 s6, v9;
	v10 =	vor.u32 s6, v10;
	v45 =	vshrl.u32 v3, $0x3;
	[tilespmem:$0x1FEC0] =	vst v44  }
0xe: {  	s10 =	sshll.u32 s7, $0x5;
	s9 =	sshll.u32 s7, $0x6;
	s25 =	sshrl.u32 s5, $0x1;
	v11 =	vor.u32 s6, v11;
	v12 =	vor.u32 s6, v12;
	v46 =	vshrl.u32 v4, $0x3;
	[tilespmem:$0x1FED0] =	vst v45  }
0xf: {  	v13 =	vor.u32 s6, v13;
	s7 =	sadd.s32 s10, s8;
	s8 =	sadd.s32 s9, s8;
	v14 =	vor.u32 s6, v14;
	s9 =	ssub.s32 s5, s25;
	v47 =	vshrl.u32 v5, $0x3;
	[tilespmem:$0x1FEE0] =	vst v46  }
0x10: {  	s5 =	sadd.s32 s2, s10;
	v16 =	vor.u32 s6, v16;
	s26 =	sor.u32 $0x8, s6;
	s28 =	sor.u32 $0x10, s6;
	vm0 =	vmor vm0, vm1;
	v48 =	vshrl.u32 v6, $0x3;
	[tilespmem:$0x1FEF0] =	vst v47  }
0x11: {  	s11 =	sor.u32 $0x18, s6;
	s12 =	sor.u32 $0x20, s6;
	s29 =	sor.u32 $0x28, s6;
	vm1 =	vcmask $0x2B28;
	v49 =	vshrl.u32 v7, $0x3;
	v50 =	vshrl.u32 v8, $0x3;
	[tilespmem:$0x1FF00] =	vst v48  }
0x12: {  	s30 =	sor.u32 $0x30, s6;
	s31 =	sor.u32 $0x38, s6;
	s13 =	sor.u32 $0x48, s6;
	v51 =	vshrl.u32 v9, $0x3;
	v52 =	vshrl.u32 v10, $0x3;
	v53 =	vshrl.u32 v11, $0x3;
	[tilespmem:$0x1FF10] =	vst v49  }
0x13: {  	s14 =	sor.u32 $0x50, s6;
	s15 =	sor.u32 $0x58, s6;
	s16 =	sor.u32 $0x60, s6;
	v54 =	vshrl.u32 v12, $0x3;
	v55 =	vshrl.u32 v13, $0x3;
	v56 =	vshrl.u32 v14, $0x3;
	[tilespmem:$0x1FF20] =	vst v50  }
0x14: {  	s17 =	sor.u32 $0x68, s6;
	s18 =	sor.u32 $0x70, s6;
	s19 =	sor.u32 $0x78, s6;
	v57 =	vshrl.u32 v16, $0x3;
	vm0 =	vmor vm0, vm1;
	vm1 =	vcmask $0x3330;
	[tilespmem:$0x1FF30] =	vst v51  }
0x15: {  	s20 =	sor.u32 $0x80, s6;
	s21 =	sor.u32 $0x88, s6;
	s22 =	sor.u32 $0x90, s6;
	[tilespmem:$0x1FF40] =	vst v52;
	v47 =	vshrl.u32 v15, $0x1;
	vm0 =	vmor vm0, vm1;
	vm1 =	vcmask $0x3B38  }
0x16: {  	s23 =	sor.u32 $0x98, s6;
	s24 =	sor.u32 $0xA0, s6;
	_ =	strace $0x80000047;
	[tilespmem:$0x1FF50] =	vst v53;
	v58 =	vor.u32 s6, v47;
	v59 =	vor.u32 s26, v47;
	v60 =	vor.u32 s28, v47  }
0x17: {  	s25 =	sor.u32 $0xA8, s6;
	s10 =	simm.s32 $0x80;
	[tilespmem:$0x1FF60] =	vst v54;
	v61 =	vor.u32 s11, v47;
	v62 =	vor.u32 s12, v47;
	v63 =	vor.u32 s29, v47;
	s12 =	sor.u32 $0x40, s6  }
0x18: {  	[tilespmem:$0x1FF70] =	vst v55;
	v22 =	vor.u32 s30, v47;
	v23 =	vor.u32 s31, v47;
	v25 =	vor.u32 s13, v47;
	s26 =	sor.u32 $0xB0, s6;
	s28 =	sor.u32 $0xB8, s6;
	s29 =	sor.u32 $0xC0, s6  }
0x19: {  	[tilespmem:$0x1FF80] =	vst v56;
	v26 =	vor.u32 s14, v47;
	v27 =	vor.u32 s15, v47;
	v28 =	vor.u32 s16, v47;
	s30 =	sor.u32 $0xC8, s6;
	s31 =	sor.u32 $0xD0, s6;
	s13 =	sor.u32 $0xD8, s6  }
0x1a: {  	[tilespmem:$0x1FF90] =	vst v57;
	v29 =	vor.u32 s17, v47;
	v30 =	vor.u32 s18, v47;
	v33 =	vor.u32 s21, v47;
	s15 =	sor.u32 $0xE0, s6;
	s18 =	sor.u32 $0xE8, s6;
	s21 =	sor.u32 $0xF0, s6  }
0x1b: {  	v31 =	vor.u32 s19, v47;
	v32 =	vor.u32 s20, v47;
	v34 =	vor.u32 s22, v47;
	s22 =	sor.u32 $0xF8, s6;
	s6 =	sadd.s32 $0x21A00, s7;
	s7 =	sadd.s32 $0x21200, s8;
	[tilespmem:$0x1FFA0] =	vst v58  }
0x1c: {  	v35 =	vor.u32 s23, v47;
	v36 =	vor.u32 s24, v47;
	v37 =	vor.u32 s25, v47;
	s8 =	smax.u32 s9, $0x1;
	s9 =	simm.s32 $0x2;
	s11 =	simm.s32 $0x100;
	[tilespmem:$0x1FFB0] =	vst v59  }
0x1d: {  	s14 =	simm.s32 $0x480;
	s16 =	simm.s32 $0x500;
	s17 =	simm.s32 $0x280;
	vm0 =	vmor vm0, vm1;
	[tilespmem:$0x1FFC0] =	vst v60;
	v24 =	vor.u32 s12, v47;
	v38 =	vor.u32 s26, v47  }
0x1e: {  	s19 =	simm.s32 $0x300;
	s20 =	simm.s32 $0x600;
	s23 =	simm.s32 $0x1;
	[tilespmem:$0x1FFD0] =	vst v61;
	v39 =	vor.u32 s28, v47;
	v40 =	vor.u32 s29, v47;
	v41 =	vor.u32 s30, v47  }
0x1f: {  	[tilespmem:$0x1FFE0] =	vst v62;
	v42 =	vor.u32 s31, v47;
	v43 =	vor.u32 s13, v47;
	s12 =	simm.s32 $0x400;
	s13 =	simm.s32 $0x180;
	v44 =	vor.u32 s15, v47;
	s15 =	simm.s32 $0x200  }
0x20: {  	[tilespmem:$0x1FFF0] =	vst v63;
	v45 =	vor.u32 s18, v47;
	s18 =	simm.s32 $0x580;
	v46 =	vor.u32 s21, v47;
	v47 =	vor.u32 s22, v47;
	s21 =	simm.s32 $0x380;
	s22 =	simm.s32 $0x680  }
.LBB2_1:
0x21: {  	[tilespmem:s3], [sflag:$0x2] =	stream.linear.gather [hbm4b:s5+s3], $0x100, $0x38;
	[tilespmem:$0x700] =	vst v63  }
0x22: {  	_ =	swait.ge [sflag:s9], $0x100  }
0x23: {  	[sflag:s9] =	ssyncset.done $0x0  }
0x24: {  	[sflag:s9] =	ssyncadd.s32 $0xFFFFFF00  }
0x25: {  	[tilespmem:$0x260] =	vst v22  }
0x26: {  	[tilespmem:$0x270] =	vst v23  }
0x27: {  	[tilespmem:$0x280] =	vst v24  }
0x28: {  	[tilespmem:$0x290] =	vst v25  }
0x29: {  	v0 =	vld [tilespmem:$0x1FEA0];
	[tilespmem:$0x2A0] =	vst v26  }
0x2a: {  	v12 =	vld [tilespmem:$0x1FEB0];
	[tilespmem:$0x2B0] =	vst v27  }
0x2b: {  	v16 =	vld [tilespmem:$0x1FEC0];
	[tilespmem:$0x2C0] =	vst v28  }
0x2c: {  	v55 =	vld [tilespmem:$0x1FED0];
	[tilespmem:$0x2D0] =	vst v29  }
0x2d: {  	v59 =	vld [tilespmem:$0x1FEE0];
	[tilespmem:$0x2E0] =	vst v30  }
0x2e: {  	v63 =	vld [tilespmem:$0x1FEF0];
	[tilespmem:$0x2F0] =	vst v31  }
0x2f: {  	v6 =	vld [tilespmem:$0x1FF00];
	[tilespmem:$0x300] =	vst v32  }
0x30: {  	v10 =	vld [tilespmem:$0x1FF10];
	[tilespmem:$0x310] =	vst v33  }
0x31: {  	v48 =	vld [tilespmem:$0x0];
	[tilespmem:$0x320] =	vst v34  }
0x32: {  	v49 =	vld [tilespmem:$0x10];
	[tilespmem:$0x330] =	vst v35  }
0x33: {  	v50 =	vld [tilespmem:$0x20];
	[tilespmem:$0x340] =	vst v36  }
0x34: {  	v51 =	vld [tilespmem:$0x30];
	[tilespmem:$0x350] =	vst v37  }
0x35: {  	v52 =	vld [tilespmem:$0x40];
	[tilespmem:$0x360] =	vst v38  }
0x36: {  	v53 =	vld [tilespmem:$0x50];
	[tilespmem:$0x370] =	vst v39  }
0x37: {  	v54 =	vld [tilespmem:$0x60];
	[tilespmem:$0x380] =	vst v40  }
0x38: {  	v15 =	vld [tilespmem:$0x70];
	[tilespmem:$0x390] =	vst v41  }
0x39: {  	v19 =	vld [tilespmem:$0x80];
	[tilespmem:$0x3A0] =	vst v42  }
0x3a: {  	v58 =	vld [tilespmem:$0x90];
	[tilespmem:$0x3B0] =	vst v43  }
0x3b: {  	v62 =	vld [tilespmem:$0xA0];
	[tilespmem:$0x3C0] =	vst v44  }
0x3c: {  	v5 =	vld [tilespmem:$0xB0];
	[tilespmem:$0x3D0] =	vst v45  }
0x3d: {  	v9 =	vld [tilespmem:$0xC0];
	[tilespmem:$0x3E0] =	vst v46;
	v48 =	vshll.u32 v48, $0xA;
	v49 =	vshll.u32 v49, $0xA;
	v14 =	vshll.u32 v50, $0xA  }
0x3e: {  	[tilespmem:$0x3F0] =	vst v47;
	v18 =	vshll.u32 v51, $0xA;
	v48 =	vadd.s32 v0, v48;
	v17 =	vadd.s32 v16, v14;
	v14 =	vld [tilespmem:$0x1FF20]  }
0x3f: {  	v57 =	vshll.u32 v52, $0xA;
	v13 =	vadd.s32 v12, v49;
	v56 =	vadd.s32 v55, v18;
	v18 =	vld [tilespmem:$0x1FF30];
	[tilespmem:$0x100] =	vst v48  }
0x40: {  	v60 =	vadd.s32 v59, v57;
	v57 =	vld [tilespmem:$0xF0];
	[tilespmem:$0x110] =	vst v13  }
0x41: {  	v61 =	vshll.u32 v53, $0xA;
	v16 =	vshll.u32 v58, $0xA;
	v58 =	vld [tilespmem:$0x1FF40];
	[tilespmem:$0x120] =	vst v17  }
0x42: {  	v4 =	vshll.u32 v54, $0xA;
	v3 =	vadd.s32 v63, v61;
	v61 =	vld [tilespmem:$0x1FF50];
	[tilespmem:$0x130] =	vst v56  }
0x43: {  	v7 =	vadd.s32 v6, v4;
	v4 =	vld [tilespmem:$0x1FF60];
	[tilespmem:$0x140] =	vst v60  }
0x44: {  	v8 =	vshll.u32 v15, $0xA;
	[tilespmem:$0x150] =	vst v3;
	v13 =	vld [tilespmem:$0xD0]  }
0x45: {  	v11 =	vadd.s32 v10, v8;
	v12 =	vshll.u32 v19, $0xA;
	[tilespmem:$0x160] =	vst v7;
	v17 =	vld [tilespmem:$0xE0]  }
0x46: {  	[tilespmem:$0x170] =	vst v11;
	v7 =	vld [tilespmem:$0x1FF70];
	v15 =	vadd.s32 v14, v12  }
0x47: {  	v56 =	vshll.u32 v62, $0xA;
	v48 =	vld [tilespmem:$0x1FFF0];
	v19 =	vadd.s32 v18, v16;
	[tilespmem:$0x180] =	vst v15  }
0x48: {  	v10 =	vld [tilespmem:$0x1FF80];
	v60 =	vshll.u32 v5, $0xA;
	v59 =	vadd.s32 v58, v56;
	[tilespmem:$0x190] =	vst v19  }
0x49: {  	v63 =	vshll.u32 v9, $0xA;
	v62 =	vadd.s32 v61, v60;
	v16 =	vld [tilespmem:$0x1FFB0];
	[tilespmem:$0x1A0] =	vst v59  }
0x4a: {  	v5 =	vadd.s32 v4, v63;
	v18 =	vld [tilespmem:$0x1FFD0];
	[tilespmem:$0x1B0] =	vst v62  }
0x4b: {  	v6 =	vshll.u32 v13, $0xA;
	[tilespmem:$0x1C0] =	vst v5;
	v13 =	vld [tilespmem:$0x1FF90]  }
0x4c: {  	v9 =	vshll.u32 v17, $0xA;
	v15 =	vld [tilespmem:$0x1FFA0];
	[tilespmem:$0x250] =	vst v48;
	v8 =	vadd.s32 v7, v6  }
0x4d: {  	v17 =	vld [tilespmem:$0x1FFC0];
	v11 =	vadd.s32 v10, v9;
	[tilespmem:$0x1D0] =	vst v8  }
0x4e: {  	v19 =	vld [tilespmem:$0x1FFE0];
	[tilespmem:$0x1E0] =	vst v11  }
0x4f: {  	[tilespmem:$0x210] =	vst v16  }
0x50: {  	[tilespmem:$0x230] =	vst v18  }
0x51: {  	[tilespmem:$0x200] =	vst v15  }
0x52: {  	v12 =	vshll.u32 v57, $0xA;
	[tilespmem:$0x220] =	vst v17  }
0x53: {  	v14 =	vadd.s32 v13, v12;
	[tilespmem:$0x240] =	vst v19  }
0x54: {  	[tilespmem:$0x1F0] =	vst v14  }
0x55: {  	[tilespmem:s12], [sflag:$0x1] =	stream.indirect.gather [hbm4b:s4+s10], $0x1, s11, s10, $0xb8;
	[tilespmem:$0x700] =	vst v63  }
0x56: {  	_ = 	snop  }
0x57: {  	[tilespmem:s14], [sflag:$0x1] =	stream.indirect.gather [hbm4b:s4+s10], $0x1, s13, s10, $0xb8;
	[tilespmem:$0x700] =	vst v63  }
0x58: {  	_ = 	snop  }
0x59: {  	[tilespmem:s16], [sflag:$0x1] =	stream.indirect.gather [hbm4b:s2+s10], $0x1, s15, s10, $0xb8;
	[tilespmem:$0x700] =	vst v63  }
0x5a: {  	_ = 	snop  }
0x5b: {  	[tilespmem:s18], [sflag:$0x1] =	stream.indirect.gather [hbm4b:s2+s10], $0x1, s17, s10, $0xb8;
	[tilespmem:$0x700] =	vst v63  }
0x5c: {  	_ = 	snop  }
0x5d: {  	[tilespmem:s20], [sflag:$0x1] =	stream.indirect.gather [hbm4b:s2+s10], $0x1, s19, s10, $0xb8;
	[tilespmem:$0x700] =	vst v63  }
0x5e: {  	_ = 	snop  }
0x5f: {  	[tilespmem:s22], [sflag:$0x1] =	stream.indirect.gather [hbm4b:s2+s10], $0x1, s21, s10, $0xb8;
	[tilespmem:$0x700] =	vst v63  }
0x60: {  	_ =	swait.ge [sflag:s23], $0x80  }
0x61: {  	[sflag:s23] =	ssyncset.done $0x0  }
0x62: {  	[sflag:s23] =	ssyncadd.s32 $0xFFFFFF80  }
0x63: {  	_ =	swait.ge [sflag:s23], $0x80  }
0x64: {  	[sflag:s23] =	ssyncset.done $0x0  }
0x65: {  	[sflag:s23] =	ssyncadd.s32 $0xFFFFFF80  }
0x66: {  	_ =	swait.ge [sflag:s23], $0x80  }
0x67: {  	[sflag:s23] =	ssyncset.done $0x0  }
0x68: {  	[sflag:s23] =	ssyncadd.s32 $0xFFFFFF80  }
0x69: {  	_ =	swait.ge [sflag:s23], $0x80  }
0x6a: {  	[sflag:s23] =	ssyncset.done $0x0  }
0x6b: {  	[sflag:s23] =	ssyncadd.s32 $0xFFFFFF80  }
0x6c: {  	_ =	swait.ge [sflag:s23], $0x80  }
0x6d: {  	[sflag:s23] =	ssyncset.done $0x0  }
0x6e: {  	[sflag:s23] =	ssyncadd.s32 $0xFFFFFF80  }
0x6f: {  	_ =	swait.ge [sflag:s23], $0x80  }
0x70: {  	[sflag:s23] =	ssyncset.done $0x0  }
0x71: {  	[sflag:s23] =	ssyncadd.s32 $0xFFFFFF80  }
0x72: {  	v48 =	vld [tilespmem:$0x400]  }
0x73: {  	v49 =	vld [tilespmem:$0x410]  }
0x74: {  	v50 =	vld [tilespmem:$0x420]  }
0x75: {  	v51 =	vld [tilespmem:$0x430]  }
0x76: {  	v52 =	vld [tilespmem:$0x440]  }
0x77: {  	v53 =	vld [tilespmem:$0x450]  }
0x78: {  	v54 =	vld [tilespmem:$0x460]  }
0x79: {  	v55 =	vld [tilespmem:$0x470]  }
0x7a: {  	v56 =	vld [tilespmem:$0x480]  }
0x7b: {  	v57 =	vld [tilespmem:$0x490]  }
0x7c: {  	v58 =	vld [tilespmem:$0x4A0]  }
0x7d: {  	v59 =	vld [tilespmem:$0x4B0]  }
0x7e: {  	v60 =	vld [tilespmem:$0x4C0]  }
0x7f: {  	v61 =	vld [tilespmem:$0x4D0]  }
0x80: {  	v62 =	vld [tilespmem:$0x4E0]  }
0x81: {  	v63 =	vld [tilespmem:$0x4F0]  }
0x82: {  	v0 =	vld [tilespmem:$0x200]  }
0x83: {  	v1 =	vld [tilespmem:$0x500]  }
0x84: {  	v2 =	vld [tilespmem:$0x210]  }
0x85: {  	v3 =	vld [tilespmem:$0x510]  }
0x86: {  	v4 =	vld [tilespmem:$0x220]  }
0x87: {  	v5 =	vld [tilespmem:$0x520]  }
0x88: {  	v6 =	vld [tilespmem:$0x230]  }
0x89: {  	v7 =	vld [tilespmem:$0x530]  }
0x8a: {  	v8 =	vld [tilespmem:$0x240]  }
0x8b: {  	v9 =	vld [tilespmem:$0x540]  }
0x8c: {  	v10 =	vld [tilespmem:$0x250]  }
0x8d: {  	v11 =	vld [tilespmem:$0x550]  }
0x8e: {  	v12 =	vld [tilespmem:$0x260]  }
0x8f: {  	v13 =	vld [tilespmem:$0x560]  }
0x90: {  	v14 =	vld [tilespmem:$0x270]  }
0x91: {  	v15 =	vld [tilespmem:$0x570]  }
0x92: {  	v16 =	vld [tilespmem:$0x280]  }
0x93: {  	v17 =	vld [tilespmem:$0x580]  }
0x94: {  	v18 =	vld [tilespmem:$0x290]  }
0x95: {  	v19 =	vld [tilespmem:$0x590]  }
0x96: {  	v20 =	vld [tilespmem:$0x2A0];
	v48 =	vsub.f32 $0.0e+00, v48  }
0x97: {  	v21 =	vld [tilespmem:$0x5A0];
	v49 =	vsub.f32 $0.0e+00, v49  }
0x98: {  	[tilespmem:$0x400] =	vst v48;
	v48 =	vsub.f32 $0.0e+00, v50;
	v50 =	vld [tilespmem:$0x2B0]  }
0x99: {  	[tilespmem:$0x410] =	vst v49;
	v49 =	vsub.f32 $0.0e+00, v51;
	v51 =	vld [tilespmem:$0x5B0]  }
0x9a: {  	[tilespmem:$0x420] =	vst v48;
	v48 =	vsub.f32 $0.0e+00, v52;
	v52 =	vld [tilespmem:$0x2C0]  }
0x9b: {  	[tilespmem:$0x430] =	vst v49;
	v49 =	vsub.f32 $0.0e+00, v53;
	v53 =	vld [tilespmem:$0x5C0]  }
0x9c: {  	[tilespmem:$0x440] =	vst v48;
	v48 =	vsub.f32 $0.0e+00, v54;
	v54 =	vld [tilespmem:$0x2D0]  }
0x9d: {  	[tilespmem:$0x450] =	vst v49;
	v49 =	vsub.f32 $0.0e+00, v55;
	v55 =	vld [tilespmem:$0x5D0]  }
0x9e: {  	[tilespmem:$0x460] =	vst v48;
	v48 =	vsub.f32 $0.0e+00, v56;
	v56 =	vld [tilespmem:$0x2E0]  }
0x9f: {  	[tilespmem:$0x470] =	vst v49;
	v49 =	vsub.f32 $0.0e+00, v57;
	v57 =	vld [tilespmem:$0x5E0]  }
0xa0: {  	[tilespmem:$0x480] =	vst v48;
	v48 =	vsub.f32 $0.0e+00, v58;
	v58 =	vld [tilespmem:$0x2F0]  }
0xa1: {  	[tilespmem:$0x490] =	vst v49;
	v49 =	vsub.f32 $0.0e+00, v59;
	v59 =	vld [tilespmem:$0x5F0]  }
0xa2: {  	[tilespmem:$0x4A0] =	vst v48;
	v48 =	vsub.f32 $0.0e+00, v60;
	v60 =	vld [tilespmem:$0x300]  }
0xa3: {  	[tilespmem:$0x4B0] =	vst v49;
	v49 =	vsub.f32 $0.0e+00, v61;
	v61 =	vld [tilespmem:$0x600]  }
0xa4: {  	v56 =	vshra.s32 v56, $0x3;
	[tilespmem:$0x4C0] =	vst v48;
	v48 =	vsub.f32 $0.0e+00, v62;
	v62 =	vld [tilespmem:$0x310]  }
0xa5: {  	[tilespmem:$0x4D0] =	vst v49;
	v49 =	vsub.f32 $0.0e+00, v63;
	v63 =	vld [tilespmem:$0x610];
	v57 =	vsel vm0, v57, v56  }
0xa6: {  	[tilespmem:$0x5E0] =	vst v57;
	v57 =	vld [tilespmem:$0x6C0]  }
0xa7: {  	v0 =	vshra.s32 v0, $0x3;
	[tilespmem:$0x4E0] =	vst v48;
	v48 =	vld [tilespmem:$0x320]  }
0xa8: {  	v0 =	vsel vm0, v1, v0;
	v50 =	vshra.s32 v50, $0x3;
	[tilespmem:$0x4F0] =	vst v49;
	v49 =	vshra.s32 v2, $0x3;
	v2 =	vld [tilespmem:$0x620]  }
0xa9: {  	[tilespmem:$0x500] =	vst v0;
	v51 =	vsel vm0, v51, v50;
	v0 =	vsel vm0, v3, v49;
	v3 =	vld [tilespmem:$0x330]  }
0xaa: {  	v52 =	vshra.s32 v52, $0x3;
	[tilespmem:$0x5B0] =	vst v51;
	v54 =	vshra.s32 v54, $0x3;
	v49 =	vshra.s32 v4, $0x3;
	v4 =	vld [tilespmem:$0x630]  }
0xab: {  	v53 =	vsel vm0, v53, v52;
	v55 =	vsel vm0, v55, v54;
	[tilespmem:$0x510] =	vst v0;
	v0 =	vsel vm0, v5, v49;
	v5 =	vld [tilespmem:$0x340]  }
0xac: {  	[tilespmem:$0x5C0] =	vst v53;
	v58 =	vshra.s32 v58, $0x3;
	v60 =	vshra.s32 v60, $0x3;
	v49 =	vshra.s32 v6, $0x3;
	v6 =	vld [tilespmem:$0x640]  }
0xad: {  	[tilespmem:$0x5D0] =	vst v55;
	v59 =	vsel vm0, v59, v58;
	v61 =	vsel vm0, v61, v60;
	v60 =	vld [tilespmem:$0x3D0]  }
0xae: {  	v8 =	vshra.s32 v8, $0x3;
	[tilespmem:$0x5F0] =	vst v59;
	v49 =	vsel vm0, v7, v49;
	v7 =	vld [tilespmem:$0x350]  }
0xaf: {  	[tilespmem:$0x530] =	vst v49;
	v49 =	vsel vm0, v9, v8;
	v9 =	vshra.s32 v10, $0x3;
	v8 =	vld [tilespmem:$0x650]  }
0xb0: {  	[tilespmem:$0x520] =	vst v0;
	v10 =	vsel vm0, v11, v9;
	v9 =	vld [tilespmem:$0x360]  }
0xb1: {  	v11 =	vshra.s32 v12, $0x3;
	[tilespmem:$0x550] =	vst v10;
	v10 =	vld [tilespmem:$0x660]  }
0xb2: {  	[tilespmem:$0x600] =	vst v61;
	v50 =	vshra.s32 v48, $0x3;
	v12 =	vsel vm0, v13, v11;
	v11 =	vld [tilespmem:$0x370]  }
0xb3: {  	[tilespmem:$0x540] =	vst v49;
	v51 =	vsel vm0, v2, v50;
	v2 =	vld [tilespmem:$0x6B0]  }
0xb4: {  	v13 =	vshra.s32 v14, $0x3;
	v52 =	vshra.s32 v3, $0x3;
	v3 =	vld [tilespmem:$0x3C0];
	[tilespmem:$0x560] =	vst v12  }
0xb5: {  	v14 =	vsel vm0, v15, v13;
	v12 =	vld [tilespmem:$0x670];
	[tilespmem:$0x620] =	vst v51  }
0xb6: {  	v15 =	vshra.s32 v16, $0x3;
	v13 =	vld [tilespmem:$0x380];
	v53 =	vsel vm0, v4, v52;
	[tilespmem:$0x570] =	vst v14  }
0xb7: {  	v54 =	vshra.s32 v5, $0x3;
	v51 =	vld [tilespmem:$0x3F0];
	v16 =	vsel vm0, v17, v15;
	[tilespmem:$0x630] =	vst v53  }
0xb8: {  	v17 =	vshra.s32 v18, $0x3;
	v14 =	vld [tilespmem:$0x680];
	v55 =	vsel vm0, v6, v54;
	[tilespmem:$0x580] =	vst v16  }
0xb9: {  	v15 =	vld [tilespmem:$0x390];
	v56 =	vshra.s32 v7, $0x3;
	v18 =	vsel vm0, v19, v17;
	[tilespmem:$0x640] =	vst v55  }
0xba: {  	v19 =	vshra.s32 v20, $0x3;
	v16 =	vld [tilespmem:$0x690];
	v58 =	vsel vm0, v8, v56;
	[tilespmem:$0x590] =	vst v18  }
0xbb: {  	v62 =	vshra.s32 v62, $0x3;
	v17 =	vld [tilespmem:$0x3A0];
	v49 =	vsel vm0, v21, v19;
	[tilespmem:$0x650] =	vst v58  }
0xbc: {  	v18 =	vld [tilespmem:$0x6A0];
	v59 =	vshra.s32 v9, $0x3;
	[tilespmem:$0x5A0] =	vst v49;
	v49 =	vsel vm0, v63, v62  }
0xbd: {  	v19 =	vld [tilespmem:$0x3B0];
	v61 =	vsel vm0, v10, v59;
	v62 =	vshra.s32 v11, $0x3;
	[tilespmem:$0x610] =	vst v49  }
0xbe: {  	v54 =	vld [tilespmem:$0x6F0];
	v56 =	vshra.s32 v3, $0x3;
	[tilespmem:$0x660] =	vst v61;
	v11 =	vsel vm0, v12, v62  }
0xbf: {  	v63 =	vld [tilespmem:$0x6D0];
	v12 =	vshra.s32 v13, $0x3;
	v57 =	vsel vm0, v57, v56;
	[tilespmem:$0x670] =	vst v11  }
0xc0: {  	v13 =	vld [tilespmem:$0x3E0];
	v14 =	vsel vm0, v14, v12;
	v15 =	vshra.s32 v15, $0x3;
	[tilespmem:$0x6C0] =	vst v57  }
0xc1: {  	v48 =	vld [tilespmem:$0x6E0];
	[tilespmem:$0x680] =	vst v14;
	v49 =	vsel vm0, v16, v15;
	v50 =	vshra.s32 v17, $0x3  }
0xc2: {  	[tilespmem:$0x690] =	vst v49;
	v52 =	vsel vm0, v18, v50;
	v53 =	vshra.s32 v19, $0x3  }
0xc3: {  	v58 =	vshra.s32 v60, $0x3;
	[tilespmem:$0x6A0] =	vst v52;
	v55 =	vsel vm0, v2, v53  }
0xc4: {  	v62 =	vshra.s32 v51, $0x3;
	v59 =	vsel vm0, v63, v58;
	[tilespmem:$0x6B0] =	vst v55  }
0xc5: {  	v63 =	vsel vm0, v54, v62;
	v60 =	vshra.s32 v13, $0x3;
	[tilespmem:$0x6D0] =	vst v59  }
0xc6: {  	[tilespmem:$0x6F0] =	vst v63;
	v61 =	vsel vm0, v48, v60  }
0xc7: {  	[tilespmem:$0x6E0] =	vst v61  }
0xc8: {  	[hbm4b:s6+s3] =	stream.linear.scatter [tilespmem:s12], [sflag:$0x2], $0x100, $0x38;
	[tilespmem:$0x700] =	vst v63  }
0xc9: {  	_ =	swait.ge [sflag:s9], $0x100  }
0xca: {  	p0 =	sne.s32 s8, $0x1;
	[sflag:s9] =	ssyncset.done $0x0  }
.Ltmp0:
0xcb: {  	[sflag:s9] =	ssyncadd.s32 $0xFFFFFF00;
	(pc) =	sbr.rel @p0 .LBB2_1-.Ltmp0, $4  }
0xcc: {  	[hbm4b:s7+s3] =	stream.linear.scatter [tilespmem:s16], [sflag:$0x2], $0x200, $0x38;
	[tilespmem:$0x700] =	vst v63  }
0xcd: {  	_ =	swait.ge [sflag:s9], $0x200  }
0xce: {  	[sflag:s9] =	ssyncset.done $0x0  }
0xcf: {  	s8 =	sadd.s32 $0xFFFFFFFF, s8;
	[sflag:s9] =	ssyncadd.s32 $0xFFFFFE00  }
0xd0: {  	_ =	sfence.sel $0x180000  }
0xd1: {  	[bflag:$0x0] =	sbarrier.arrive $0xFFFF  }
0xd2: {  	p0 =	sne.s32 s0, $0x0;
	_ =	strace $0x90000047  }
0xd3: {  	s0 =	sadd.s32 @!p0 $0x100000, s1;
	[bflag:$0x2] =	sbarrier.arrive $0xFFFF  }
0xd4: {  	[sflag:s0] =	ssyncadd.tile.s32 @!p0 $0x1;
	_ =	shalt  }
.Lfunc_end2:
_tile_overlayer_lowered:
.L_overlay_start_2:
0xd5: {  	(tag) =	ssettag $0x2  }
0xd6: {  	s0 =	rddreg [dreg:$0x0];
	s2 =	stileid.u32  }
0xd7: {  	s1 =	rddreg [dreg:$0x1];
	p0 =	sne.s32 s2, $0x0  }
0xd8: {  	s3 =	rddreg [dreg:$0x2];
	[bflag:$0x3] =	sbarrier.arrive $0xFFFF;
	s2 =	simm.s32 @!p0 $0x1C02  }
0xd9: {  	[timem:s3], [sflag:s2] =	dma.local @!p0 [hbm:s0], s1  }
0xda: {  	s0 =	simm.s32 @!p0 $0x2  }
0xdb: {  	_ =	swait.ge @!p0 [sflag:s0], s1  }
0xdc: {  	s1 =	ssub.s32 @!p0 $0x0, s1;
	[sflag:s0] =	ssyncset.done @!p0 $0x0  }
0xdd: {  	[sflag:s0] =	ssyncadd.s32 @!p0 s1  }
0xde: {  	[bflag:$0x3] =	sbarrier.arrive $0xFFFF  }
0xdf: {  	_ =	shalt  }

</sc_bundles>
